<compile_context>
chip_gen: v7x
topology: tpu7x:2x2x1
jax: 0.10.2.dev20260603
libtpu: 0.0.44.dev20260713+nightly
codegen_flags: <defaults>
</compile_context>

<pallas_src>
import functools

import jax
import jax.numpy as jnp
from jax import lax
from jax.experimental import pallas as pl
from jax.experimental.pallas import tpu as pltpu
from jax.experimental.pallas import tpu_sc as plsc

_N = 1048576
_F = 524288
_NC = 2
_NS = 16
_NW = _NC * _NS
_L = 16
_C = (_N - _F) // _NW
_HP = 2
_P = _C // _HP
_PV = _P // _L
_U = 8

_mesh = plsc.VectorSubcoreMesh(core_axis_name="c", subcore_axis_name="s")


@functools.partial(
    pl.kernel,
    mesh=_mesh,
    out_type=jax.ShapeDtypeStruct((_NW, _L), jnp.float32),
    scratch_types=[
        pltpu.VMEM((_C + _L,), jnp.float32),
        pltpu.VMEM((_C + _L,), jnp.float32),
        pltpu.VMEM((_L,), jnp.float32),
        pltpu.SemaphoreType.DMA,
        pltpu.SemaphoreType.DMA,
    ],
)
def _sc_partial_sums(yt_hbm, yp_hbm, out_hbm, bt, bp, acc_v, sem0, sem1):
    cid = lax.axis_index("c")
    sid = lax.axis_index("s")
    wid = sid * _NC + cid
    start = pl.multiple_of(_F + wid * _C, _C)
    sems = (sem0, sem1)

    copies = [
        pltpu.async_copy(yt_hbm.at[pl.ds(start - _L, _L)], bt.at[pl.ds(0, _L)], sem0),
        pltpu.async_copy(yp_hbm.at[pl.ds(start - _L, _L)], bp.at[pl.ds(0, _L)], sem0),
    ]

    def start_piece(p):
        off = pl.multiple_of(start + p * _P, _P)
        s = sems[p % 2]
        return [
            pltpu.async_copy(yt_hbm.at[pl.ds(off, _P)], bt.at[pl.ds(p * _P + _L, _P)], s),
            pltpu.async_copy(yp_hbm.at[pl.ds(off, _P)], bp.at[pl.ds(p * _P + _L, _P)], s),
        ]

    copies += start_piece(0)
    for c in copies:
        c.wait()

    total = jnp.zeros((_L,), jnp.float32)
    carry_p = bp[pl.ds(0, _L)]
    rot_idx = (lax.iota(jnp.int32, _L) + (_L - 1)) % _L
    for p in range(_HP):
        nxt = start_piece(p + 1) if p + 1 < _HP else []

        @plsc.parallel_loop(p * _PV, (p + 1) * _PV, step=_U, carry=(total, carry_p))
        def acc(i, carry_in):
            acc_in, pc = carry_in
            lane = lax.iota(jnp.int32, _L)
            terms = []
            for u in range(_U):
                base = (i + u) * _L
                cur_t = bt[pl.ds(base + _L, _L)]
                cur_p = bp[pl.ds(base + _L, _L)]
                prev_t = bt[pl.ds(base + (_L - 1), _L)]
                merged = jnp.where(lane == _L - 1, pc, cur_p)
                prev_p = merged.at[rot_idx].get(
                    mode=lax.GatherScatterMode.PROMISE_IN_BOUNDS)
                pc = cur_p
                mm = jnp.logical_xor(cur_t > prev_t, cur_p > prev_p)
                d = cur_p - cur_t
                se = d * d
                terms.append(jnp.where(mm, se * 10000.0, se))
            while len(terms) > 1:
                terms = [a + b for a, b in zip(terms[::2], terms[1::2])]
            return acc_in + terms[0], pc

        total, carry_p = acc
        for c in nxt:
            c.wait()

    acc_v[...] = total
    pltpu.sync_copy(acc_v, out_hbm.at[wid])



_ALLROWS = _N // 128
_ROWS = _F // 128
_BR = 1024
_STEPS = _ROWS // _BR


def _tc_body(yt_ref, yp_ref, ht_ref, hp_ref, out_ref):
    i = pl.program_id(0)
    t = yt_ref[...]
    p = yp_ref[...]
    halo_t = jnp.where(i == 0, t[0:1, 0:1], ht_ref[7:8, 127:128])
    halo_p = jnp.where(i == 0, p[0:1, 0:1], hp_ref[7:8, 127:128])
    col_t = jnp.concatenate([halo_t, t[:-1, 127:128]], axis=0)
    col_p = jnp.concatenate([halo_p, p[:-1, 127:128]], axis=0)
    prev_t = jnp.concatenate([col_t, t[:, :127]], axis=1)
    prev_p = jnp.concatenate([col_p, p[:, :127]], axis=1)
    mm = jnp.logical_xor(t > prev_t, p > prev_p)
    d = p - t
    se = d * d
    w = jnp.where(mm, se * 10000.0, se)
    partial = jnp.sum(w)

    @pl.when(i == 0)
    def _init():
        out_ref[0, 0] = 0.0

    out_ref[0, 0] += partial


_tc_partial = pl.pallas_call(
    _tc_body,
    grid=(_STEPS,),
    in_specs=[
        pl.BlockSpec((_BR, 128), lambda i: (i, 0)),
        pl.BlockSpec((_BR, 128), lambda i: (i, 0)),
        pl.BlockSpec((8, 128), lambda i: (jnp.maximum(i * (_BR // 8) - 1, 0), 0)),
        pl.BlockSpec((8, 128), lambda i: (jnp.maximum(i * (_BR // 8) - 1, 0), 0)),
    ],
    out_specs=pl.BlockSpec(memory_space=pltpu.SMEM),
    out_shape=jax.ShapeDtypeStruct((1, 1), jnp.float32),
)


def kernel(y_true, y_pred):
    yt2d = y_true.reshape(_ALLROWS, 128)
    yp2d = y_pred.reshape(_ALLROWS, 128)
    tc_sum = _tc_partial(yt2d, yp2d, yt2d, yp2d)
    sc_partials = _sc_partial_sums(y_true, y_pred)
    return (tc_sum[0, 0] + jnp.sum(sc_partials)) / jnp.float32(_N)

# --- scband reference (transcript-rebuilt; emitter-appended) ---
"""Pipeline reference for scband-custom-mseloss-63282048139831 (READ-ONLY COPY).

The authoritative reference and input builder live on the scoring server;
editing this copy changes nothing except your own understanding.
"""

import jax, jax.numpy as jnp
import numpy as np


def setup_inputs(seed: int = 0) -> dict:
    key = jax.random.key(seed)
    k1, k2 = jax.random.split(key)
    N = 1048576
    y_true = jax.random.normal(k1, (N,), dtype=jnp.float32)
    y_pred = jax.random.normal(k2, (N,), dtype=jnp.float32)
    return {"y_true": y_true, "y_pred": y_pred}


def reference(y_true, y_pred):
    # differences between consecutive elements
    true_price_diff = y_true[1:] - y_true[:-1]
    pred_price_diff = y_pred[1:] - y_pred[:-1]
    y_true_movement = true_price_diff > 0
    y_pred_movement = pred_price_diff > 0
    # positions (in diff space) where predicted direction disagrees with true direction;
    # torch code shifts these indices by +1 before indexing squared_error.
    mismatch = y_true_movement != y_pred_movement
    mask = jnp.concatenate([jnp.zeros((1,), dtype=bool), mismatch])
    squared_error = (y_pred - y_true) ** 2
    # squared_error[false_indices] *= 10000  (dense equivalent via where)
    squared_error = jnp.where(mask, squared_error * 10000.0, squared_error)
    loss = jnp.mean(squared_error)
    return loss

if __name__ == "__main__":
    import jax
    _d = setup_inputs()
    print(jax.jit(kernel)(*tuple(_d.values())))

</pallas_src>

<mosaic_0001>
#map = affine_map<(d0, d1) -> (0)>
#map1 = affine_map<(d0, d1) -> (0, 0)>
module attributes {stable_mosaic.version = 14 : i64} {
  func.func @_sc_partial_sums(%arg0: i32, %arg1: i32, %arg2: memref<1048576xf32, #tpu.memory_space<hbm>>, %arg3: memref<1048576xf32, #tpu.memory_space<hbm>>, %arg4: memref<32x16xf32, #tpu.memory_space<hbm>>, %arg5: memref<16400xf32, #tpu.memory_space<vmem>>, %arg6: memref<16400xf32, #tpu.memory_space<vmem>>, %arg7: memref<16xf32, #tpu.memory_space<vmem>>, %arg8: memref<!tpu.dma_semaphore, #tpu.memory_space<semaphore_mem>>, %arg9: memref<!tpu.dma_semaphore, #tpu.memory_space<semaphore_mem>>) attributes {dimension_semantics = [#tpu.dimension_semantics<core_parallel>, #tpu.dimension_semantics<subcore_parallel>], iteration_bounds = array<i64: 2, 16>, scalar_prefetch = 0 : i64, scratch_operands = 5 : i64, tpu.core_type = #tpu.core_type<sc_vector_subcore>, window_params = [{transform_indices = #map}, {transform_indices = #map}, {transform_indices = #map1}]} {
    %mul3A = arith.constant 2 : i32
    %mul3A_0 = arith.muli %arg1, %mul3A : i32
    %add3A = arith.addi %mul3A_0, %arg0 : i32
    %mul3A_1 = arith.constant 16384 : i32
    %mul3A_2 = arith.muli %add3A, %mul3A_1 : i32
    %add3A_3 = arith.constant 524288 : i32
    %add3A_4 = arith.addi %add3A_3, %mul3A_2 : i32
    %multiple_of3A = tpu.assume_multiple %add3A_4, 16384 : i32
    %sub3A = arith.constant 16 : i32
    %sub3A_5 = arith.subi %multiple_of3A, %sub3A : i32
    %dma_start3A = arith.constant 0 : i32
    %dma_start3A_6 = tpu.memref_slice %arg5[%dma_start3A] : memref<16400xf32, #tpu.memory_space<vmem>> -> memref<16xf32, #tpu.memory_space<vmem>>
    %dma_start3A_7 = tpu.memref_slice %arg2[%sub3A_5] : memref<1048576xf32, #tpu.memory_space<hbm>> -> memref<16xf32, #tpu.memory_space<hbm>>
    %dma_start3A_8 = arith.constant 0 : i32
    %dma_start3A_9 = tpu.memref_slice %arg5[%dma_start3A_8] : memref<16400xf32, #tpu.memory_space<vmem>> -> memref<16xf32, #tpu.memory_space<vmem>>
    %dma_start3A_10 = tpu.memref_slice %arg2[%sub3A_5] : memref<1048576xf32, #tpu.memory_space<hbm>> -> memref<16xf32, #tpu.memory_space<hbm>>
    tpu.enqueue_dma source(%dma_start3A_10 : memref<16xf32, #tpu.memory_space<hbm>>) target(%dma_start3A_9 : memref<16xf32, #tpu.memory_space<vmem>>) target_semaphore(%arg8 : memref<!tpu.dma_semaphore, #tpu.memory_space<semaphore_mem>>)
    %sub3A_11 = arith.constant 16 : i32
    %sub3A_12 = arith.subi %multiple_of3A, %sub3A_11 : i32
    %dma_start3A_13 = arith.constant 0 : i32
    %dma_start3A_14 = tpu.memref_slice %arg6[%dma_start3A_13] : memref<16400xf32, #tpu.memory_space<vmem>> -> memref<16xf32, #tpu.memory_space<vmem>>
    %dma_start3A_15 = tpu.memref_slice %arg3[%sub3A_12] : memref<1048576xf32, #tpu.memory_space<hbm>> -> memref<16xf32, #tpu.memory_space<hbm>>
    %dma_start3A_16 = arith.constant 0 : i32
    %dma_start3A_17 = tpu.memref_slice %arg6[%dma_start3A_16] : memref<16400xf32, #tpu.memory_space<vmem>> -> memref<16xf32, #tpu.memory_space<vmem>>
    %dma_start3A_18 = tpu.memref_slice %arg3[%sub3A_12] : memref<1048576xf32, #tpu.memory_space<hbm>> -> memref<16xf32, #tpu.memory_space<hbm>>
    tpu.enqueue_dma source(%dma_start3A_18 : memref<16xf32, #tpu.memory_space<hbm>>) target(%dma_start3A_17 : memref<16xf32, #tpu.memory_space<vmem>>) target_semaphore(%arg8 : memref<!tpu.dma_semaphore, #tpu.memory_space<semaphore_mem>>)
    %add3A_19 = arith.constant 0 : i32
    %add3A_20 = arith.addi %multiple_of3A, %add3A_19 : i32
    %multiple_of3A_21 = tpu.assume_multiple %add3A_20, 8192 : i32
    %dma_start3A_22 = arith.constant 16 : i32
    %dma_start3A_23 = tpu.memref_slice %arg5[%dma_start3A_22] : memref<16400xf32, #tpu.memory_space<vmem>> -> memref<8192xf32, #tpu.memory_space<vmem>>
    %dma_start3A_24 = tpu.memref_slice %arg2[%multiple_of3A_21] : memref<1048576xf32, #tpu.memory_space<hbm>> -> memref<8192xf32, #tpu.memory_space<hbm>>
    %dma_start3A_25 = arith.constant 16 : i32
    %dma_start3A_26 = tpu.memref_slice %arg5[%dma_start3A_25] : memref<16400xf32, #tpu.memory_space<vmem>> -> memref<8192xf32, #tpu.memory_space<vmem>>
    %dma_start3A_27 = tpu.memref_slice %arg2[%multiple_of3A_21] : memref<1048576xf32, #tpu.memory_space<hbm>> -> memref<8192xf32, #tpu.memory_space<hbm>>
    tpu.enqueue_dma source(%dma_start3A_27 : memref<8192xf32, #tpu.memory_space<hbm>>) target(%dma_start3A_26 : memref<8192xf32, #tpu.memory_space<vmem>>) target_semaphore(%arg8 : memref<!tpu.dma_semaphore, #tpu.memory_space<semaphore_mem>>)
    %dma_start3A_28 = arith.constant 16 : i32
    %dma_start3A_29 = tpu.memref_slice %arg6[%dma_start3A_28] : memref<16400xf32, #tpu.memory_space<vmem>> -> memref<8192xf32, #tpu.memory_space<vmem>>
    %dma_start3A_30 = tpu.memref_slice %arg3[%multiple_of3A_21] : memref<1048576xf32, #tpu.memory_space<hbm>> -> memref<8192xf32, #tpu.memory_space<hbm>>
    %dma_start3A_31 = arith.constant 16 : i32
    %dma_start3A_32 = tpu.memref_slice %arg6[%dma_start3A_31] : memref<16400xf32, #tpu.memory_space<vmem>> -> memref<8192xf32, #tpu.memory_space<vmem>>
    %dma_start3A_33 = tpu.memref_slice %arg3[%multiple_of3A_21] : memref<1048576xf32, #tpu.memory_space<hbm>> -> memref<8192xf32, #tpu.memory_space<hbm>>
    tpu.enqueue_dma source(%dma_start3A_33 : memref<8192xf32, #tpu.memory_space<hbm>>) target(%dma_start3A_32 : memref<8192xf32, #tpu.memory_space<vmem>>) target_semaphore(%arg8 : memref<!tpu.dma_semaphore, #tpu.memory_space<semaphore_mem>>)
    %dma_wait3A = arith.constant 0 : i32
    %dma_wait3A_34 = tpu.memref_slice %arg5[%dma_wait3A] : memref<16400xf32, #tpu.memory_space<vmem>> -> memref<16xf32, #tpu.memory_space<vmem>>
    %dma_wait3A_35 = tpu.memref_slice %arg2[%sub3A_5] : memref<1048576xf32, #tpu.memory_space<hbm>> -> memref<16xf32, #tpu.memory_space<hbm>>
    %dma_wait3A_36 = arith.constant 0 : i32
    %dma_wait3A_37 = tpu.memref_slice %arg5[%dma_wait3A_36] : memref<16400xf32, #tpu.memory_space<vmem>> -> memref<16xf32, #tpu.memory_space<vmem>>
    %dma_wait3A_38 = tpu.memref_slice %arg2[%sub3A_5] : memref<1048576xf32, #tpu.memory_space<hbm>> -> memref<16xf32, #tpu.memory_space<hbm>>
    tpu.wait_dma2 semaphore(%arg8 : memref<!tpu.dma_semaphore, #tpu.memory_space<semaphore_mem>>) src(%dma_wait3A_38 : memref<16xf32, #tpu.memory_space<hbm>>) dst(%dma_wait3A_37 : memref<16xf32, #tpu.memory_space<vmem>>)
    %dma_wait3A_39 = arith.constant 0 : i32
    %dma_wait3A_40 = tpu.memref_slice %arg6[%dma_wait3A_39] : memref<16400xf32, #tpu.memory_space<vmem>> -> memref<16xf32, #tpu.memory_space<vmem>>
    %dma_wait3A_41 = tpu.memref_slice %arg3[%sub3A_12] : memref<1048576xf32, #tpu.memory_space<hbm>> -> memref<16xf32, #tpu.memory_space<hbm>>
    %dma_wait3A_42 = arith.constant 0 : i32
    %dma_wait3A_43 = tpu.memref_slice %arg6[%dma_wait3A_42] : memref<16400xf32, #tpu.memory_space<vmem>> -> memref<16xf32, #tpu.memory_space<vmem>>
    %dma_wait3A_44 = tpu.memref_slice %arg3[%sub3A_12] : memref<1048576xf32, #tpu.memory_space<hbm>> -> memref<16xf32, #tpu.memory_space<hbm>>
    tpu.wait_dma2 semaphore(%arg8 : memref<!tpu.dma_semaphore, #tpu.memory_space<semaphore_mem>>) src(%dma_wait3A_44 : memref<16xf32, #tpu.memory_space<hbm>>) dst(%dma_wait3A_43 : memref<16xf32, #tpu.memory_space<vmem>>)
    %dma_wait3A_45 = arith.constant 16 : i32
    %dma_wait3A_46 = tpu.memref_slice %arg5[%dma_wait3A_45] : memref<16400xf32, #tpu.memory_space<vmem>> -> memref<8192xf32, #tpu.memory_space<vmem>>
    %dma_wait3A_47 = tpu.memref_slice %arg2[%multiple_of3A_21] : memref<1048576xf32, #tpu.memory_space<hbm>> -> memref<8192xf32, #tpu.memory_space<hbm>>
    %dma_wait3A_48 = arith.constant 16 : i32
    %dma_wait3A_49 = tpu.memref_slice %arg5[%dma_wait3A_48] : memref<16400xf32, #tpu.memory_space<vmem>> -> memref<8192xf32, #tpu.memory_space<vmem>>
    %dma_wait3A_50 = tpu.memref_slice %arg2[%multiple_of3A_21] : memref<1048576xf32, #tpu.memory_space<hbm>> -> memref<8192xf32, #tpu.memory_space<hbm>>
    tpu.wait_dma2 semaphore(%arg8 : memref<!tpu.dma_semaphore, #tpu.memory_space<semaphore_mem>>) src(%dma_wait3A_50 : memref<8192xf32, #tpu.memory_space<hbm>>) dst(%dma_wait3A_49 : memref<8192xf32, #tpu.memory_space<vmem>>)
    %dma_wait3A_51 = arith.constant 16 : i32
    %dma_wait3A_52 = tpu.memref_slice %arg6[%dma_wait3A_51] : memref<16400xf32, #tpu.memory_space<vmem>> -> memref<8192xf32, #tpu.memory_space<vmem>>
    %dma_wait3A_53 = tpu.memref_slice %arg3[%multiple_of3A_21] : memref<1048576xf32, #tpu.memory_space<hbm>> -> memref<8192xf32, #tpu.memory_space<hbm>>
    %dma_wait3A_54 = arith.constant 16 : i32
    %dma_wait3A_55 = tpu.memref_slice %arg6[%dma_wait3A_54] : memref<16400xf32, #tpu.memory_space<vmem>> -> memref<8192xf32, #tpu.memory_space<vmem>>
    %dma_wait3A_56 = tpu.memref_slice %arg3[%multiple_of3A_21] : memref<1048576xf32, #tpu.memory_space<hbm>> -> memref<8192xf32, #tpu.memory_space<hbm>>
    tpu.wait_dma2 semaphore(%arg8 : memref<!tpu.dma_semaphore, #tpu.memory_space<semaphore_mem>>) src(%dma_wait3A_56 : memref<8192xf32, #tpu.memory_space<hbm>>) dst(%dma_wait3A_55 : memref<8192xf32, #tpu.memory_space<vmem>>)
    %broadcast_in_dim3A = arith.constant 0.000000e+00 : f32
    %broadcast_in_dim3A_57 = vector.broadcast %broadcast_in_dim3A : f32 to vector<16xf32>
    %get3A = arith.constant 0 : index
    %get3A_58 = tpu.vector_load %arg6[%get3A] {strides = array<i32>} : memref<16400xf32, #tpu.memory_space<vmem>>, vector<16xf32>,
    %get3A_59 = vector.shape_cast %get3A_58 : vector<16xf32> to vector<16xf32>
    %iota3A = tpu.iota {dimensions = array<i32: 0>} : vector<16xi32>
    %add3A_60 = arith.constant 15 : i32
    %add3A_61 = vector.broadcast %add3A_60 : i32 to vector<16xi32>
    %add3A_62 = arith.addi %iota3A, %add3A_61 : vector<16xi32>
    %jit3A = arith.constant 16 : i32
    %eq3A = arith.constant 0 : i32
    %eq3A_63 = arith.cmpi eq, %jit3A, %eq3A : i32
    %jit3A_64 = arith.constant 1 : i32
    %select_n3A = arith.select %eq3A_63, %jit3A_64, %jit3A : i32
    %rem3A = vector.broadcast %select_n3A : i32 to vector<16xi32>
    %rem3A_65 = arith.remsi %add3A_62, %rem3A : vector<16xi32>
    %ne3A = arith.constant 0 : i32
    %ne3A_66 = vector.broadcast %ne3A : i32 to vector<16xi32>
    %ne3A_67 = arith.cmpi ne, %rem3A_65, %ne3A_66 : vector<16xi32>
    %lt3A = arith.constant 0 : i32
    %lt3A_68 = vector.broadcast %lt3A : i32 to vector<16xi32>
    %lt3A_69 = arith.cmpi slt, %rem3A_65, %lt3A_68 : vector<16xi32>
    %lt3A_70 = arith.constant 0 : i32
    %lt3A_71 = arith.cmpi slt, %select_n3A, %lt3A_70 : i32
    %ne3A_72 = vector.broadcast %lt3A_71 : i1 to vector<16xi1>
    %ne3A_73 = vector.broadcast %ne3A_72 : vector<16xi1> to vector<16xi1>
    %ne3A_74 = arith.xori %lt3A_69, %ne3A_73 : vector<16xi1>
    %and3A = arith.andi %ne3A_74, %ne3A_67 : vector<16xi1>
    %add3A_75 = vector.broadcast %select_n3A : i32 to vector<16xi32>
    %add3A_76 = arith.addi %rem3A_65, %add3A_75 : vector<16xi32>
    %select_n3A_77 = arith.select %and3A, %add3A_76, %rem3A_65 : vector<16xi1>, vector<16xi32>
    %add3A_78 = arith.constant 8192 : i32
    %add3A_79 = arith.addi %multiple_of3A, %add3A_78 : i32
    %multiple_of3A_80 = tpu.assume_multiple %add3A_79, 8192 : i32
    %dma_start3A_81 = arith.constant 8208 : i32
    %dma_start3A_82 = tpu.memref_slice %arg5[%dma_start3A_81] : memref<16400xf32, #tpu.memory_space<vmem>> -> memref<8192xf32, #tpu.memory_space<vmem>>
    %dma_start3A_83 = tpu.memref_slice %arg2[%multiple_of3A_80] : memref<1048576xf32, #tpu.memory_space<hbm>> -> memref<8192xf32, #tpu.memory_space<hbm>>
    %dma_start3A_84 = arith.constant 8208 : i32
    %dma_start3A_85 = tpu.memref_slice %arg5[%dma_start3A_84] : memref<16400xf32, #tpu.memory_space<vmem>> -> memref<8192xf32, #tpu.memory_space<vmem>>
    %dma_start3A_86 = tpu.memref_slice %arg2[%multiple_of3A_80] : memref<1048576xf32, #tpu.memory_space<hbm>> -> memref<8192xf32, #tpu.memory_space<hbm>>
    tpu.enqueue_dma source(%dma_start3A_86 : memref<8192xf32, #tpu.memory_space<hbm>>) target(%dma_start3A_85 : memref<8192xf32, #tpu.memory_space<vmem>>) target_semaphore(%arg9 : memref<!tpu.dma_semaphore, #tpu.memory_space<semaphore_mem>>)
    %dma_start3A_87 = arith.constant 8208 : i32
    %dma_start3A_88 = tpu.memref_slice %arg6[%dma_start3A_87] : memref<16400xf32, #tpu.memory_space<vmem>> -> memref<8192xf32, #tpu.memory_space<vmem>>
    %dma_start3A_89 = tpu.memref_slice %arg3[%multiple_of3A_80] : memref<1048576xf32, #tpu.memory_space<hbm>> -> memref<8192xf32, #tpu.memory_space<hbm>>
    %dma_start3A_90 = arith.constant 8208 : i32
    %dma_start3A_91 = tpu.memref_slice %arg6[%dma_start3A_90] : memref<16400xf32, #tpu.memory_space<vmem>> -> memref<8192xf32, #tpu.memory_space<vmem>>
    %dma_start3A_92 = tpu.memref_slice %arg3[%multiple_of3A_80] : memref<1048576xf32, #tpu.memory_space<hbm>> -> memref<8192xf32, #tpu.memory_space<hbm>>
    tpu.enqueue_dma source(%dma_start3A_92 : memref<8192xf32, #tpu.memory_space<hbm>>) target(%dma_start3A_91 : memref<8192xf32, #tpu.memory_space<vmem>>) target_semaphore(%arg9 : memref<!tpu.dma_semaphore, #tpu.memory_space<semaphore_mem>>)
    %parallel_loop3A = arith.constant 0 : i32
    %parallel_loop3A_93 = arith.constant 512 : i32
    %parallel_loop3A_94 = arith.constant 8 : i32
    %parallel_loop3A_95:2 = scf.for %parallel_loop3A_115 = %parallel_loop3A to %parallel_loop3A_93 step %parallel_loop3A_94 iter_args(%parallel_loop3A_116 = %broadcast_in_dim3A_57, %parallel_loop3A_117 = %get3A_59) -> (vector<16xf32>, vector<16xf32>)  : i32 {
      %parallel_loop3A_118 = tpu.iota {dimensions = array<i32: 0>} : vector<16xi32>
      %parallel_loop3A_119 = arith.constant 0 : i32
      %parallel_loop3A_120 = arith.addi %parallel_loop3A_115, %parallel_loop3A_119 : i32
      %parallel_loop3A_121 = arith.constant 16 : i32
      %parallel_loop3A_122 = arith.muli %parallel_loop3A_120, %parallel_loop3A_121 : i32
      %parallel_loop3A_123 = arith.constant 16 : i32
      %parallel_loop3A_124 = arith.addi %parallel_loop3A_122, %parallel_loop3A_123 : i32
      %parallel_loop3A_125 = arith.index_cast %parallel_loop3A_124 : i32 to index
      %parallel_loop3A_126 = tpu.vector_load %arg5[%parallel_loop3A_125] {strides = array<i32>} : memref<16400xf32, #tpu.memory_space<vmem>>, vector<16xf32>,
      %parallel_loop3A_127 = vector.shape_cast %parallel_loop3A_126 : vector<16xf32> to vector<16xf32>
      %parallel_loop3A_128 = arith.constant 16 : i32
      %parallel_loop3A_129 = arith.addi %parallel_loop3A_122, %parallel_loop3A_128 : i32
      %parallel_loop3A_130 = arith.index_cast %parallel_loop3A_129 : i32 to index
      %parallel_loop3A_131 = tpu.vector_load %arg6[%parallel_loop3A_130] {strides = array<i32>} : memref<16400xf32, #tpu.memory_space<vmem>>, vector<16xf32>,
      %parallel_loop3A_132 = vector.shape_cast %parallel_loop3A_131 : vector<16xf32> to vector<16xf32>
      %parallel_loop3A_133 = arith.constant 15 : i32
      %parallel_loop3A_134 = arith.addi %parallel_loop3A_122, %parallel_loop3A_133 : i32
      %parallel_loop3A_135 = arith.index_cast %parallel_loop3A_134 : i32 to index
      %parallel_loop3A_136 = tpu.vector_load %arg5[%parallel_loop3A_135] {strides = array<i32>} : memref<16400xf32, #tpu.memory_space<vmem>>, vector<16xf32>,
      %parallel_loop3A_137 = vector.shape_cast %parallel_loop3A_136 : vector<16xf32> to vector<16xf32>
      %parallel_loop3A_138 = arith.constant 15 : i32
      %parallel_loop3A_139 = vector.broadcast %parallel_loop3A_138 : i32 to vector<16xi32>
      %parallel_loop3A_140 = arith.cmpi eq, %parallel_loop3A_118, %parallel_loop3A_139 : vector<16xi32>
      %parallel_loop3A_141 = arith.select %parallel_loop3A_140, %parallel_loop3A_117, %parallel_loop3A_132 : vector<16xi1>, vector<16xf32>
      %parallel_loop3A_142 = arith.constant 0 : i32
      %parallel_loop3A_143 = vector.broadcast %parallel_loop3A_142 : i32 to vector<16xi32>
      %parallel_loop3A_144 = arith.cmpi slt, %select_n3A_77, %parallel_loop3A_143 : vector<16xi32>
      %parallel_loop3A_145 = arith.constant 16 : i32
      %parallel_loop3A_146 = vector.broadcast %parallel_loop3A_145 : i32 to vector<16xi32>
      %parallel_loop3A_147 = arith.addi %select_n3A_77, %parallel_loop3A_146 : vector<16xi32>
      %parallel_loop3A_148 = arith.select %parallel_loop3A_144, %parallel_loop3A_147, %select_n3A_77 : vector<16xi1>, vector<16xi32>
      %parallel_loop3A_149 = vector.shape_cast %parallel_loop3A_148 : vector<16xi32> to vector<16x1xi32>
      %parallel_loop3A_150 = vector.shape_cast %parallel_loop3A_149 : vector<16x1xi32> to vector<16xi32>
      %parallel_loop3A_151 = tpu.dynamic_gather %parallel_loop3A_141[%parallel_loop3A_150] in [0] : vector<16xf32>, vector<16xi32> -> vector<16xf32>
      %parallel_loop3A_152 = arith.cmpf ogt, %parallel_loop3A_127, %parallel_loop3A_137 : vector<16xf32>
      %parallel_loop3A_153 = arith.cmpf ogt, %parallel_loop3A_132, %parallel_loop3A_151 : vector<16xf32>
      %parallel_loop3A_154 = arith.xori %parallel_loop3A_152, %parallel_loop3A_153 : vector<16xi1>
      %parallel_loop3A_155 = arith.subf %parallel_loop3A_132, %parallel_loop3A_127 : vector<16xf32>
      %parallel_loop3A_156 = arith.mulf %parallel_loop3A_155, %parallel_loop3A_155 : vector<16xf32>
      %parallel_loop3A_157 = arith.constant 1.000000e+04 : f32
      %parallel_loop3A_158 = vector.broadcast %parallel_loop3A_157 : f32 to vector<16xf32>
      %parallel_loop3A_159 = arith.mulf %parallel_loop3A_156, %parallel_loop3A_158 : vector<16xf32>
      %parallel_loop3A_160 = arith.select %parallel_loop3A_154, %parallel_loop3A_159, %parallel_loop3A_156 : vector<16xi1>, vector<16xf32>
      %parallel_loop3A_161 = arith.constant 1 : i32
      %parallel_loop3A_162 = arith.addi %parallel_loop3A_115, %parallel_loop3A_161 : i32
      %parallel_loop3A_163 = arith.constant 16 : i32
      %parallel_loop3A_164 = arith.muli %parallel_loop3A_162, %parallel_loop3A_163 : i32
      %parallel_loop3A_165 = arith.constant 16 : i32
      %parallel_loop3A_166 = arith.addi %parallel_loop3A_164, %parallel_loop3A_165 : i32
      %parallel_loop3A_167 = arith.index_cast %parallel_loop3A_166 : i32 to index
      %parallel_loop3A_168 = tpu.vector_load %arg5[%parallel_loop3A_167] {strides = array<i32>} : memref<16400xf32, #tpu.memory_space<vmem>>, vector<16xf32>,
      %parallel_loop3A_169 = vector.shape_cast %parallel_loop3A_168 : vector<16xf32> to vector<16xf32>
      %parallel_loop3A_170 = arith.constant 16 : i32
      %parallel_loop3A_171 = arith.addi %parallel_loop3A_164, %parallel_loop3A_170 : i32
      %parallel_loop3A_172 = arith.index_cast %parallel_loop3A_171 : i32 to index
      %parallel_loop3A_173 = tpu.vector_load %arg6[%parallel_loop3A_172] {strides = array<i32>} : memref<16400xf32, #tpu.memory_space<vmem>>, vector<16xf32>,
      %parallel_loop3A_174 = vector.shape_cast %parallel_loop3A_173 : vector<16xf32> to vector<16xf32>
      %parallel_loop3A_175 = arith.constant 15 : i32
      %parallel_loop3A_176 = arith.addi %parallel_loop3A_164, %parallel_loop3A_175 : i32
      %parallel_loop3A_177 = arith.index_cast %parallel_loop3A_176 : i32 to index
      %parallel_loop3A_178 = tpu.vector_load %arg5[%parallel_loop3A_177] {strides = array<i32>} : memref<16400xf32, #tpu.memory_space<vmem>>, vector<16xf32>,
      %parallel_loop3A_179 = vector.shape_cast %parallel_loop3A_178 : vector<16xf32> to vector<16xf32>
      %parallel_loop3A_180 = arith.constant 15 : i32
      %parallel_loop3A_181 = vector.broadcast %parallel_loop3A_180 : i32 to vector<16xi32>
      %parallel_loop3A_182 = arith.cmpi eq, %parallel_loop3A_118, %parallel_loop3A_181 : vector<16xi32>
      %parallel_loop3A_183 = arith.select %parallel_loop3A_182, %parallel_loop3A_132, %parallel_loop3A_174 : vector<16xi1>, vector<16xf32>
      %parallel_loop3A_184 = arith.constant 0 : i32
      %parallel_loop3A_185 = vector.broadcast %parallel_loop3A_184 : i32 to vector<16xi32>
      %parallel_loop3A_186 = arith.cmpi slt, %select_n3A_77, %parallel_loop3A_185 : vector<16xi32>
      %parallel_loop3A_187 = arith.constant 16 : i32
      %parallel_loop3A_188 = vector.broadcast %parallel_loop3A_187 : i32 to vector<16xi32>
      %parallel_loop3A_189 = arith.addi %select_n3A_77, %parallel_loop3A_188 : vector<16xi32>
      %parallel_loop3A_190 = arith.select %parallel_loop3A_186, %parallel_loop3A_189, %select_n3A_77 : vector<16xi1>, vector<16xi32>
      %parallel_loop3A_191 = vector.shape_cast %parallel_loop3A_190 : vector<16xi32> to vector<16x1xi32>
      %parallel_loop3A_192 = vector.shape_cast %parallel_loop3A_191 : vector<16x1xi32> to vector<16xi32>
      %parallel_loop3A_193 = tpu.dynamic_gather %parallel_loop3A_183[%parallel_loop3A_192] in [0] : vector<16xf32>, vector<16xi32> -> vector<16xf32>
      %parallel_loop3A_194 = arith.cmpf ogt, %parallel_loop3A_169, %parallel_loop3A_179 : vector<16xf32>
      %parallel_loop3A_195 = arith.cmpf ogt, %parallel_loop3A_174, %parallel_loop3A_193 : vector<16xf32>
      %parallel_loop3A_196 = arith.xori %parallel_loop3A_194, %parallel_loop3A_195 : vector<16xi1>
      %parallel_loop3A_197 = arith.subf %parallel_loop3A_174, %parallel_loop3A_169 : vector<16xf32>
      %parallel_loop3A_198 = arith.mulf %parallel_loop3A_197, %parallel_loop3A_197 : vector<16xf32>
      %parallel_loop3A_199 = arith.constant 1.000000e+04 : f32
      %parallel_loop3A_200 = vector.broadcast %parallel_loop3A_199 : f32 to vector<16xf32>
      %parallel_loop3A_201 = arith.mulf %parallel_loop3A_198, %parallel_loop3A_200 : vector<16xf32>
      %parallel_loop3A_202 = arith.select %parallel_loop3A_196, %parallel_loop3A_201, %parallel_loop3A_198 : vector<16xi1>, vector<16xf32>
      %parallel_loop3A_203 = arith.constant 2 : i32
      %parallel_loop3A_204 = arith.addi %parallel_loop3A_115, %parallel_loop3A_203 : i32
      %parallel_loop3A_205 = arith.constant 16 : i32
      %parallel_loop3A_206 = arith.muli %parallel_loop3A_204, %parallel_loop3A_205 : i32
      %parallel_loop3A_207 = arith.constant 16 : i32
      %parallel_loop3A_208 = arith.addi %parallel_loop3A_206, %parallel_loop3A_207 : i32
      %parallel_loop3A_209 = arith.index_cast %parallel_loop3A_208 : i32 to index
      %parallel_loop3A_210 = tpu.vector_load %arg5[%parallel_loop3A_209] {strides = array<i32>} : memref<16400xf32, #tpu.memory_space<vmem>>, vector<16xf32>,
      %parallel_loop3A_211 = vector.shape_cast %parallel_loop3A_210 : vector<16xf32> to vector<16xf32>
      %parallel_loop3A_212 = arith.constant 16 : i32
      %parallel_loop3A_213 = arith.addi %parallel_loop3A_206, %parallel_loop3A_212 : i32
      %parallel_loop3A_214 = arith.index_cast %parallel_loop3A_213 : i32 to index
      %parallel_loop3A_215 = tpu.vector_load %arg6[%parallel_loop3A_214] {strides = array<i32>} : memref<16400xf32, #tpu.memory_space<vmem>>, vector<16xf32>,
      %parallel_loop3A_216 = vector.shape_cast %parallel_loop3A_215 : vector<16xf32> to vector<16xf32>
      %parallel_loop3A_217 = arith.constant 15 : i32
      %parallel_loop3A_218 = arith.addi %parallel_loop3A_206, %parallel_loop3A_217 : i32
      %parallel_loop3A_219 = arith.index_cast %parallel_loop3A_218 : i32 to index
      %parallel_loop3A_220 = tpu.vector_load %arg5[%parallel_loop3A_219] {strides = array<i32>} : memref<16400xf32, #tpu.memory_space<vmem>>, vector<16xf32>,
      %parallel_loop3A_221 = vector.shape_cast %parallel_loop3A_220 : vector<16xf32> to vector<16xf32>
      %parallel_loop3A_222 = arith.constant 15 : i32
      %parallel_loop3A_223 = vector.broadcast %parallel_loop3A_222 : i32 to vector<16xi32>
      %parallel_loop3A_224 = arith.cmpi eq, %parallel_loop3A_118, %parallel_loop3A_223 : vector<16xi32>
      %parallel_loop3A_225 = arith.select %parallel_loop3A_224, %parallel_loop3A_174, %parallel_loop3A_216 : vector<16xi1>, vector<16xf32>
      %parallel_loop3A_226 = arith.constant 0 : i32
      %parallel_loop3A_227 = vector.broadcast %parallel_loop3A_226 : i32 to vector<16xi32>
      %parallel_loop3A_228 = arith.cmpi slt, %select_n3A_77, %parallel_loop3A_227 : vector<16xi32>
      %parallel_loop3A_229 = arith.constant 16 : i32
      %parallel_loop3A_230 = vector.broadcast %parallel_loop3A_229 : i32 to vector<16xi32>
      %parallel_loop3A_231 = arith.addi %select_n3A_77, %parallel_loop3A_230 : vector<16xi32>
      %parallel_loop3A_232 = arith.select %parallel_loop3A_228, %parallel_loop3A_231, %select_n3A_77 : vector<16xi1>, vector<16xi32>
      %parallel_loop3A_233 = vector.shape_cast %parallel_loop3A_232 : vector<16xi32> to vector<16x1xi32>
      %parallel_loop3A_234 = vector.shape_cast %parallel_loop3A_233 : vector<16x1xi32> to vector<16xi32>
      %parallel_loop3A_235 = tpu.dynamic_gather %parallel_loop3A_225[%parallel_loop3A_234] in [0] : vector<16xf32>, vector<16xi32> -> vector<16xf32>
      %parallel_loop3A_236 = arith.cmpf ogt, %parallel_loop3A_211, %parallel_loop3A_221 : vector<16xf32>
      %parallel_loop3A_237 = arith.cmpf ogt, %parallel_loop3A_216, %parallel_loop3A_235 : vector<16xf32>
      %parallel_loop3A_238 = arith.xori %parallel_loop3A_236, %parallel_loop3A_237 : vector<16xi1>
      %parallel_loop3A_239 = arith.subf %parallel_loop3A_216, %parallel_loop3A_211 : vector<16xf32>
      %parallel_loop3A_240 = arith.mulf %parallel_loop3A_239, %parallel_loop3A_239 : vector<16xf32>
      %parallel_loop3A_241 = arith.constant 1.000000e+04 : f32
      %parallel_loop3A_242 = vector.broadcast %parallel_loop3A_241 : f32 to vector<16xf32>
      %parallel_loop3A_243 = arith.mulf %parallel_loop3A_240, %parallel_loop3A_242 : vector<16xf32>
      %parallel_loop3A_244 = arith.select %parallel_loop3A_238, %parallel_loop3A_243, %parallel_loop3A_240 : vector<16xi1>, vector<16xf32>
      %parallel_loop3A_245 = arith.constant 3 : i32
      %parallel_loop3A_246 = arith.addi %parallel_loop3A_115, %parallel_loop3A_245 : i32
      %parallel_loop3A_247 = arith.constant 16 : i32
      %parallel_loop3A_248 = arith.muli %parallel_loop3A_246, %parallel_loop3A_247 : i32
      %parallel_loop3A_249 = arith.constant 16 : i32
      %parallel_loop3A_250 = arith.addi %parallel_loop3A_248, %parallel_loop3A_249 : i32
      %parallel_loop3A_251 = arith.index_cast %parallel_loop3A_250 : i32 to index
      %parallel_loop3A_252 = tpu.vector_load %arg5[%parallel_loop3A_251] {strides = array<i32>} : memref<16400xf32, #tpu.memory_space<vmem>>, vector<16xf32>,
      %parallel_loop3A_253 = vector.shape_cast %parallel_loop3A_252 : vector<16xf32> to vector<16xf32>
      %parallel_loop3A_254 = arith.constant 16 : i32
      %parallel_loop3A_255 = arith.addi %parallel_loop3A_248, %parallel_loop3A_254 : i32
      %parallel_loop3A_256 = arith.index_cast %parallel_loop3A_255 : i32 to index
      %parallel_loop3A_257 = tpu.vector_load %arg6[%parallel_loop3A_256] {strides = array<i32>} : memref<16400xf32, #tpu.memory_space<vmem>>, vector<16xf32>,
      %parallel_loop3A_258 = vector.shape_cast %parallel_loop3A_257 : vector<16xf32> to vector<16xf32>
      %parallel_loop3A_259 = arith.constant 15 : i32
      %parallel_loop3A_260 = arith.addi %parallel_loop3A_248, %parallel_loop3A_259 : i32
      %parallel_loop3A_261 = arith.index_cast %parallel_loop3A_260 : i32 to index
      %parallel_loop3A_262 = tpu.vector_load %arg5[%parallel_loop3A_261] {strides = array<i32>} : memref<16400xf32, #tpu.memory_space<vmem>>, vector<16xf32>,
      %parallel_loop3A_263 = vector.shape_cast %parallel_loop3A_262 : vector<16xf32> to vector<16xf32>
      %parallel_loop3A_264 = arith.constant 15 : i32
      %parallel_loop3A_265 = vector.broadcast %parallel_loop3A_264 : i32 to vector<16xi32>
      %parallel_loop3A_266 = arith.cmpi eq, %parallel_loop3A_118, %parallel_loop3A_265 : vector<16xi32>
      %parallel_loop3A_267 = arith.select %parallel_loop3A_266, %parallel_loop3A_216, %parallel_loop3A_258 : vector<16xi1>, vector<16xf32>
      %parallel_loop3A_268 = arith.constant 0 : i32
      %parallel_loop3A_269 = vector.broadcast %parallel_loop3A_268 : i32 to vector<16xi32>
      %parallel_loop3A_270 = arith.cmpi slt, %select_n3A_77, %parallel_loop3A_269 : vector<16xi32>
      %parallel_loop3A_271 = arith.constant 16 : i32
      %parallel_loop3A_272 = vector.broadcast %parallel_loop3A_271 : i32 to vector<16xi32>
      %parallel_loop3A_273 = arith.addi %select_n3A_77, %parallel_loop3A_272 : vector<16xi32>
      %parallel_loop3A_274 = arith.select %parallel_loop3A_270, %parallel_loop3A_273, %select_n3A_77 : vector<16xi1>, vector<16xi32>
      %parallel_loop3A_275 = vector.shape_cast %parallel_loop3A_274 : vector<16xi32> to vector<16x1xi32>
      %parallel_loop3A_276 = vector.shape_cast %parallel_loop3A_275 : vector<16x1xi32> to vector<16xi32>
      %parallel_loop3A_277 = tpu.dynamic_gather %parallel_loop3A_267[%parallel_loop3A_276] in [0] : vector<16xf32>, vector<16xi32> -> vector<16xf32>
      %parallel_loop3A_278 = arith.cmpf ogt, %parallel_loop3A_253, %parallel_loop3A_263 : vector<16xf32>
      %parallel_loop3A_279 = arith.cmpf ogt, %parallel_loop3A_258, %parallel_loop3A_277 : vector<16xf32>
      %parallel_loop3A_280 = arith.xori %parallel_loop3A_278, %parallel_loop3A_279 : vector<16xi1>
      %parallel_loop3A_281 = arith.subf %parallel_loop3A_258, %parallel_loop3A_253 : vector<16xf32>
      %parallel_loop3A_282 = arith.mulf %parallel_loop3A_281, %parallel_loop3A_281 : vector<16xf32>
      %parallel_loop3A_283 = arith.constant 1.000000e+04 : f32
      %parallel_loop3A_284 = vector.broadcast %parallel_loop3A_283 : f32 to vector<16xf32>
      %parallel_loop3A_285 = arith.mulf %parallel_loop3A_282, %parallel_loop3A_284 : vector<16xf32>
      %parallel_loop3A_286 = arith.select %parallel_loop3A_280, %parallel_loop3A_285, %parallel_loop3A_282 : vector<16xi1>, vector<16xf32>
      %parallel_loop3A_287 = arith.constant 4 : i32
      %parallel_loop3A_288 = arith.addi %parallel_loop3A_115, %parallel_loop3A_287 : i32
      %parallel_loop3A_289 = arith.constant 16 : i32
      %parallel_loop3A_290 = arith.muli %parallel_loop3A_288, %parallel_loop3A_289 : i32
      %parallel_loop3A_291 = arith.constant 16 : i32
      %parallel_loop3A_292 = arith.addi %parallel_loop3A_290, %parallel_loop3A_291 : i32
      %parallel_loop3A_293 = arith.index_cast %parallel_loop3A_292 : i32 to index
      %parallel_loop3A_294 = tpu.vector_load %arg5[%parallel_loop3A_293] {strides = array<i32>} : memref<16400xf32, #tpu.memory_space<vmem>>, vector<16xf32>,
      %parallel_loop3A_295 = vector.shape_cast %parallel_loop3A_294 : vector<16xf32> to vector<16xf32>
      %parallel_loop3A_296 = arith.constant 16 : i32
      %parallel_loop3A_297 = arith.addi %parallel_loop3A_290, %parallel_loop3A_296 : i32
      %parallel_loop3A_298 = arith.index_cast %parallel_loop3A_297 : i32 to index
      %parallel_loop3A_299 = tpu.vector_load %arg6[%parallel_loop3A_298] {strides = array<i32>} : memref<16400xf32, #tpu.memory_space<vmem>>, vector<16xf32>,
      %parallel_loop3A_300 = vector.shape_cast %parallel_loop3A_299 : vector<16xf32> to vector<16xf32>
      %parallel_loop3A_301 = arith.constant 15 : i32
      %parallel_loop3A_302 = arith.addi %parallel_loop3A_290, %parallel_loop3A_301 : i32
      %parallel_loop3A_303 = arith.index_cast %parallel_loop3A_302 : i32 to index
      %parallel_loop3A_304 = tpu.vector_load %arg5[%parallel_loop3A_303] {strides = array<i32>} : memref<16400xf32, #tpu.memory_space<vmem>>, vector<16xf32>,
      %parallel_loop3A_305 = vector.shape_cast %parallel_loop3A_304 : vector<16xf32> to vector<16xf32>
      %parallel_loop3A_306 = arith.constant 15 : i32
      %parallel_loop3A_307 = vector.broadcast %parallel_loop3A_306 : i32 to vector<16xi32>
      %parallel_loop3A_308 = arith.cmpi eq, %parallel_loop3A_118, %parallel_loop3A_307 : vector<16xi32>
      %parallel_loop3A_309 = arith.select %parallel_loop3A_308, %parallel_loop3A_258, %parallel_loop3A_300 : vector<16xi1>, vector<16xf32>
      %parallel_loop3A_310 = arith.constant 0 : i32
      %parallel_loop3A_311 = vector.broadcast %parallel_loop3A_310 : i32 to vector<16xi32>
      %parallel_loop3A_312 = arith.cmpi slt, %select_n3A_77, %parallel_loop3A_311 : vector<16xi32>
      %parallel_loop3A_313 = arith.constant 16 : i32
      %parallel_loop3A_314 = vector.broadcast %parallel_loop3A_313 : i32 to vector<16xi32>
      %parallel_loop3A_315 = arith.addi %select_n3A_77, %parallel_loop3A_314 : vector<16xi32>
      %parallel_loop3A_316 = arith.select %parallel_loop3A_312, %parallel_loop3A_315, %select_n3A_77 : vector<16xi1>, vector<16xi32>
      %parallel_loop3A_317 = vector.shape_cast %parallel_loop3A_316 : vector<16xi32> to vector<16x1xi32>
      %parallel_loop3A_318 = vector.shape_cast %parallel_loop3A_317 : vector<16x1xi32> to vector<16xi32>
      %parallel_loop3A_319 = tpu.dynamic_gather %parallel_loop3A_309[%parallel_loop3A_318] in [0] : vector<16xf32>, vector<16xi32> -> vector<16xf32>
      %parallel_loop3A_320 = arith.cmpf ogt, %parallel_loop3A_295, %parallel_loop3A_305 : vector<16xf32>
      %parallel_loop3A_321 = arith.cmpf ogt, %parallel_loop3A_300, %parallel_loop3A_319 : vector<16xf32>
      %parallel_loop3A_322 = arith.xori %parallel_loop3A_320, %parallel_loop3A_321 : vector<16xi1>
      %parallel_loop3A_323 = arith.subf %parallel_loop3A_300, %parallel_loop3A_295 : vector<16xf32>
      %parallel_loop3A_324 = arith.mulf %parallel_loop3A_323, %parallel_loop3A_323 : vector<16xf32>
      %parallel_loop3A_325 = arith.constant 1.000000e+04 : f32
      %parallel_loop3A_326 = vector.broadcast %parallel_loop3A_325 : f32 to vector<16xf32>
      %parallel_loop3A_327 = arith.mulf %parallel_loop3A_324, %parallel_loop3A_326 : vector<16xf32>
      %parallel_loop3A_328 = arith.select %parallel_loop3A_322, %parallel_loop3A_327, %parallel_loop3A_324 : vector<16xi1>, vector<16xf32>
      %parallel_loop3A_329 = arith.constant 5 : i32
      %parallel_loop3A_330 = arith.addi %parallel_loop3A_115, %parallel_loop3A_329 : i32
      %parallel_loop3A_331 = arith.constant 16 : i32
      %parallel_loop3A_332 = arith.muli %parallel_loop3A_330, %parallel_loop3A_331 : i32
      %parallel_loop3A_333 = arith.constant 16 : i32
      %parallel_loop3A_334 = arith.addi %parallel_loop3A_332, %parallel_loop3A_333 : i32
      %parallel_loop3A_335 = arith.index_cast %parallel_loop3A_334 : i32 to index
      %parallel_loop3A_336 = tpu.vector_load %arg5[%parallel_loop3A_335] {strides = array<i32>} : memref<16400xf32, #tpu.memory_space<vmem>>, vector<16xf32>,
      %parallel_loop3A_337 = vector.shape_cast %parallel_loop3A_336 : vector<16xf32> to vector<16xf32>
      %parallel_loop3A_338 = arith.constant 16 : i32
      %parallel_loop3A_339 = arith.addi %parallel_loop3A_332, %parallel_loop3A_338 : i32
      %parallel_loop3A_340 = arith.index_cast %parallel_loop3A_339 : i32 to index
      %parallel_loop3A_341 = tpu.vector_load %arg6[%parallel_loop3A_340] {strides = array<i32>} : memref<16400xf32, #tpu.memory_space<vmem>>, vector<16xf32>,
      %parallel_loop3A_342 = vector.shape_cast %parallel_loop3A_341 : vector<16xf32> to vector<16xf32>
      %parallel_loop3A_343 = arith.constant 15 : i32
      %parallel_loop3A_344 = arith.addi %parallel_loop3A_332, %parallel_loop3A_343 : i32
      %parallel_loop3A_345 = arith.index_cast %parallel_loop3A_344 : i32 to index
      %parallel_loop3A_346 = tpu.vector_load %arg5[%parallel_loop3A_345] {strides = array<i32>} : memref<16400xf32, #tpu.memory_space<vmem>>, vector<16xf32>,
      %parallel_loop3A_347 = vector.shape_cast %parallel_loop3A_346 : vector<16xf32> to vector<16xf32>
      %parallel_loop3A_348 = arith.constant 15 : i32
      %parallel_loop3A_349 = vector.broadcast %parallel_loop3A_348 : i32 to vector<16xi32>
      %parallel_loop3A_350 = arith.cmpi eq, %parallel_loop3A_118, %parallel_loop3A_349 : vector<16xi32>
      %parallel_loop3A_351 = arith.select %parallel_loop3A_350, %parallel_loop3A_300, %parallel_loop3A_342 : vector<16xi1>, vector<16xf32>
      %parallel_loop3A_352 = arith.constant 0 : i32
      %parallel_loop3A_353 = vector.broadcast %parallel_loop3A_352 : i32 to vector<16xi32>
      %parallel_loop3A_354 = arith.cmpi slt, %select_n3A_77, %parallel_loop3A_353 : vector<16xi32>
      %parallel_loop3A_355 = arith.constant 16 : i32
      %parallel_loop3A_356 = vector.broadcast %parallel_loop3A_355 : i32 to vector<16xi32>
      %parallel_loop3A_357 = arith.addi %select_n3A_77, %parallel_loop3A_356 : vector<16xi32>
      %parallel_loop3A_358 = arith.select %parallel_loop3A_354, %parallel_loop3A_357, %select_n3A_77 : vector<16xi1>, vector<16xi32>
      %parallel_loop3A_359 = vector.shape_cast %parallel_loop3A_358 : vector<16xi32> to vector<16x1xi32>
      %parallel_loop3A_360 = vector.shape_cast %parallel_loop3A_359 : vector<16x1xi32> to vector<16xi32>
      %parallel_loop3A_361 = tpu.dynamic_gather %parallel_loop3A_351[%parallel_loop3A_360] in [0] : vector<16xf32>, vector<16xi32> -> vector<16xf32>
      %parallel_loop3A_362 = arith.cmpf ogt, %parallel_loop3A_337, %parallel_loop3A_347 : vector<16xf32>
      %parallel_loop3A_363 = arith.cmpf ogt, %parallel_loop3A_342, %parallel_loop3A_361 : vector<16xf32>
      %parallel_loop3A_364 = arith.xori %parallel_loop3A_362, %parallel_loop3A_363 : vector<16xi1>
      %parallel_loop3A_365 = arith.subf %parallel_loop3A_342, %parallel_loop3A_337 : vector<16xf32>
      %parallel_loop3A_366 = arith.mulf %parallel_loop3A_365, %parallel_loop3A_365 : vector<16xf32>
      %parallel_loop3A_367 = arith.constant 1.000000e+04 : f32
      %parallel_loop3A_368 = vector.broadcast %parallel_loop3A_367 : f32 to vector<16xf32>
      %parallel_loop3A_369 = arith.mulf %parallel_loop3A_366, %parallel_loop3A_368 : vector<16xf32>
      %parallel_loop3A_370 = arith.select %parallel_loop3A_364, %parallel_loop3A_369, %parallel_loop3A_366 : vector<16xi1>, vector<16xf32>
      %parallel_loop3A_371 = arith.constant 6 : i32
      %parallel_loop3A_372 = arith.addi %parallel_loop3A_115, %parallel_loop3A_371 : i32
      %parallel_loop3A_373 = arith.constant 16 : i32
      %parallel_loop3A_374 = arith.muli %parallel_loop3A_372, %parallel_loop3A_373 : i32
      %parallel_loop3A_375 = arith.constant 16 : i32
      %parallel_loop3A_376 = arith.addi %parallel_loop3A_374, %parallel_loop3A_375 : i32
      %parallel_loop3A_377 = arith.index_cast %parallel_loop3A_376 : i32 to index
      %parallel_loop3A_378 = tpu.vector_load %arg5[%parallel_loop3A_377] {strides = array<i32>} : memref<16400xf32, #tpu.memory_space<vmem>>, vector<16xf32>,
      %parallel_loop3A_379 = vector.shape_cast %parallel_loop3A_378 : vector<16xf32> to vector<16xf32>
      %parallel_loop3A_380 = arith.constant 16 : i32
      %parallel_loop3A_381 = arith.addi %parallel_loop3A_374, %parallel_loop3A_380 : i32
      %parallel_loop3A_382 = arith.index_cast %parallel_loop3A_381 : i32 to index
      %parallel_loop3A_383 = tpu.vector_load %arg6[%parallel_loop3A_382] {strides = array<i32>} : memref<16400xf32, #tpu.memory_space<vmem>>, vector<16xf32>,
      %parallel_loop3A_384 = vector.shape_cast %parallel_loop3A_383 : vector<16xf32> to vector<16xf32>
      %parallel_loop3A_385 = arith.constant 15 : i32
      %parallel_loop3A_386 = arith.addi %parallel_loop3A_374, %parallel_loop3A_385 : i32
      %parallel_loop3A_387 = arith.index_cast %parallel_loop3A_386 : i32 to index
      %parallel_loop3A_388 = tpu.vector_load %arg5[%parallel_loop3A_387] {strides = array<i32>} : memref<16400xf32, #tpu.memory_space<vmem>>, vector<16xf32>,
      %parallel_loop3A_389 = vector.shape_cast %parallel_loop3A_388 : vector<16xf32> to vector<16xf32>
      %parallel_loop3A_390 = arith.constant 15 : i32
      %parallel_loop3A_391 = vector.broadcast %parallel_loop3A_390 : i32 to vector<16xi32>
      %parallel_loop3A_392 = arith.cmpi eq, %parallel_loop3A_118, %parallel_loop3A_391 : vector<16xi32>
      %parallel_loop3A_393 = arith.select %parallel_loop3A_392, %parallel_loop3A_342, %parallel_loop3A_384 : vector<16xi1>, vector<16xf32>
      %parallel_loop3A_394 = arith.constant 0 : i32
      %parallel_loop3A_395 = vector.broadcast %parallel_loop3A_394 : i32 to vector<16xi32>
      %parallel_loop3A_396 = arith.cmpi slt, %select_n3A_77, %parallel_loop3A_395 : vector<16xi32>
      %parallel_loop3A_397 = arith.constant 16 : i32
      %parallel_loop3A_398 = vector.broadcast %parallel_loop3A_397 : i32 to vector<16xi32>
      %parallel_loop3A_399 = arith.addi %select_n3A_77, %parallel_loop3A_398 : vector<16xi32>
      %parallel_loop3A_400 = arith.select %parallel_loop3A_396, %parallel_loop3A_399, %select_n3A_77 : vector<16xi1>, vector<16xi32>
      %parallel_loop3A_401 = vector.shape_cast %parallel_loop3A_400 : vector<16xi32> to vector<16x1xi32>
      %parallel_loop3A_402 = vector.shape_cast %parallel_loop3A_401 : vector<16x1xi32> to vector<16xi32>
      %parallel_loop3A_403 = tpu.dynamic_gather %parallel_loop3A_393[%parallel_loop3A_402] in [0] : vector<16xf32>, vector<16xi32> -> vector<16xf32>
      %parallel_loop3A_404 = arith.cmpf ogt, %parallel_loop3A_379, %parallel_loop3A_389 : vector<16xf32>
      %parallel_loop3A_405 = arith.cmpf ogt, %parallel_loop3A_384, %parallel_loop3A_403 : vector<16xf32>
      %parallel_loop3A_406 = arith.xori %parallel_loop3A_404, %parallel_loop3A_405 : vector<16xi1>
      %parallel_loop3A_407 = arith.subf %parallel_loop3A_384, %parallel_loop3A_379 : vector<16xf32>
      %parallel_loop3A_408 = arith.mulf %parallel_loop3A_407, %parallel_loop3A_407 : vector<16xf32>
      %parallel_loop3A_409 = arith.constant 1.000000e+04 : f32
      %parallel_loop3A_410 = vector.broadcast %parallel_loop3A_409 : f32 to vector<16xf32>
      %parallel_loop3A_411 = arith.mulf %parallel_loop3A_408, %parallel_loop3A_410 : vector<16xf32>
      %parallel_loop3A_412 = arith.select %parallel_loop3A_406, %parallel_loop3A_411, %parallel_loop3A_408 : vector<16xi1>, vector<16xf32>
      %parallel_loop3A_413 = arith.constant 7 : i32
      %parallel_loop3A_414 = arith.addi %parallel_loop3A_115, %parallel_loop3A_413 : i32
      %parallel_loop3A_415 = arith.constant 16 : i32
      %parallel_loop3A_416 = arith.muli %parallel_loop3A_414, %parallel_loop3A_415 : i32
      %parallel_loop3A_417 = arith.constant 16 : i32
      %parallel_loop3A_418 = arith.addi %parallel_loop3A_416, %parallel_loop3A_417 : i32
      %parallel_loop3A_419 = arith.index_cast %parallel_loop3A_418 : i32 to index
      %parallel_loop3A_420 = tpu.vector_load %arg5[%parallel_loop3A_419] {strides = array<i32>} : memref<16400xf32, #tpu.memory_space<vmem>>, vector<16xf32>,
      %parallel_loop3A_421 = vector.shape_cast %parallel_loop3A_420 : vector<16xf32> to vector<16xf32>
      %parallel_loop3A_422 = arith.constant 16 : i32
      %parallel_loop3A_423 = arith.addi %parallel_loop3A_416, %parallel_loop3A_422 : i32
      %parallel_loop3A_424 = arith.index_cast %parallel_loop3A_423 : i32 to index
      %parallel_loop3A_425 = tpu.vector_load %arg6[%parallel_loop3A_424] {strides = array<i32>} : memref<16400xf32, #tpu.memory_space<vmem>>, vector<16xf32>,
      %parallel_loop3A_426 = vector.shape_cast %parallel_loop3A_425 : vector<16xf32> to vector<16xf32>
      %parallel_loop3A_427 = arith.constant 15 : i32
      %parallel_loop3A_428 = arith.addi %parallel_loop3A_416, %parallel_loop3A_427 : i32
      %parallel_loop3A_429 = arith.index_cast %parallel_loop3A_428 : i32 to index
      %parallel_loop3A_430 = tpu.vector_load %arg5[%parallel_loop3A_429] {strides = array<i32>} : memref<16400xf32, #tpu.memory_space<vmem>>, vector<16xf32>,
      %parallel_loop3A_431 = vector.shape_cast %parallel_loop3A_430 : vector<16xf32> to vector<16xf32>
      %parallel_loop3A_432 = arith.constant 15 : i32
      %parallel_loop3A_433 = vector.broadcast %parallel_loop3A_432 : i32 to vector<16xi32>
      %parallel_loop3A_434 = arith.cmpi eq, %parallel_loop3A_118, %parallel_loop3A_433 : vector<16xi32>
      %parallel_loop3A_435 = arith.select %parallel_loop3A_434, %parallel_loop3A_384, %parallel_loop3A_426 : vector<16xi1>, vector<16xf32>
      %parallel_loop3A_436 = arith.constant 0 : i32
      %parallel_loop3A_437 = vector.broadcast %parallel_loop3A_436 : i32 to vector<16xi32>
      %parallel_loop3A_438 = arith.cmpi slt, %select_n3A_77, %parallel_loop3A_437 : vector<16xi32>
      %parallel_loop3A_439 = arith.constant 16 : i32
      %parallel_loop3A_440 = vector.broadcast %parallel_loop3A_439 : i32 to vector<16xi32>
      %parallel_loop3A_441 = arith.addi %select_n3A_77, %parallel_loop3A_440 : vector<16xi32>
      %parallel_loop3A_442 = arith.select %parallel_loop3A_438, %parallel_loop3A_441, %select_n3A_77 : vector<16xi1>, vector<16xi32>
      %parallel_loop3A_443 = vector.shape_cast %parallel_loop3A_442 : vector<16xi32> to vector<16x1xi32>
      %parallel_loop3A_444 = vector.shape_cast %parallel_loop3A_443 : vector<16x1xi32> to vector<16xi32>
      %parallel_loop3A_445 = tpu.dynamic_gather %parallel_loop3A_435[%parallel_loop3A_444] in [0] : vector<16xf32>, vector<16xi32> -> vector<16xf32>
      %parallel_loop3A_446 = arith.cmpf ogt, %parallel_loop3A_421, %parallel_loop3A_431 : vector<16xf32>
      %parallel_loop3A_447 = arith.cmpf ogt, %parallel_loop3A_426, %parallel_loop3A_445 : vector<16xf32>
      %parallel_loop3A_448 = arith.xori %parallel_loop3A_446, %parallel_loop3A_447 : vector<16xi1>
      %parallel_loop3A_449 = arith.subf %parallel_loop3A_426, %parallel_loop3A_421 : vector<16xf32>
      %parallel_loop3A_450 = arith.mulf %parallel_loop3A_449, %parallel_loop3A_449 : vector<16xf32>
      %parallel_loop3A_451 = arith.constant 1.000000e+04 : f32
      %parallel_loop3A_452 = vector.broadcast %parallel_loop3A_451 : f32 to vector<16xf32>
      %parallel_loop3A_453 = arith.mulf %parallel_loop3A_450, %parallel_loop3A_452 : vector<16xf32>
      %parallel_loop3A_454 = arith.select %parallel_loop3A_448, %parallel_loop3A_453, %parallel_loop3A_450 : vector<16xi1>, vector<16xf32>
      %parallel_loop3A_455 = arith.addf %parallel_loop3A_160, %parallel_loop3A_202 : vector<16xf32>
      %parallel_loop3A_456 = arith.addf %parallel_loop3A_244, %parallel_loop3A_286 : vector<16xf32>
      %parallel_loop3A_457 = arith.addf %parallel_loop3A_328, %parallel_loop3A_370 : vector<16xf32>
      %parallel_loop3A_458 = arith.addf %parallel_loop3A_412, %parallel_loop3A_454 : vector<16xf32>
      %parallel_loop3A_459 = arith.addf %parallel_loop3A_455, %parallel_loop3A_456 : vector<16xf32>
      %parallel_loop3A_460 = arith.addf %parallel_loop3A_457, %parallel_loop3A_458 : vector<16xf32>
      %parallel_loop3A_461 = arith.addf %parallel_loop3A_459, %parallel_loop3A_460 : vector<16xf32>
      %parallel_loop3A_462 = arith.addf %parallel_loop3A_116, %parallel_loop3A_461 : vector<16xf32>
      scf.yield %parallel_loop3A_462, %parallel_loop3A_426 : vector<16xf32>, vector<16xf32>
    } {sc.loop_unroll_factor = 1 : i64, sc.parallel_access}
    %dma_wait3A_96 = arith.constant 8208 : i32
    %dma_wait3A_97 = tpu.memref_slice %arg5[%dma_wait3A_96] : memref<16400xf32, #tpu.memory_space<vmem>> -> memref<8192xf32, #tpu.memory_space<vmem>>
    %dma_wait3A_98 = tpu.memref_slice %arg2[%multiple_of3A_80] : memref<1048576xf32, #tpu.memory_space<hbm>> -> memref<8192xf32, #tpu.memory_space<hbm>>
    %dma_wait3A_99 = arith.constant 8208 : i32
    %dma_wait3A_100 = tpu.memref_slice %arg5[%dma_wait3A_99] : memref<16400xf32, #tpu.memory_space<vmem>> -> memref<8192xf32, #tpu.memory_space<vmem>>
    %dma_wait3A_101 = tpu.memref_slice %arg2[%multiple_of3A_80] : memref<1048576xf32, #tpu.memory_space<hbm>> -> memref<8192xf32, #tpu.memory_space<hbm>>
    tpu.wait_dma2 semaphore(%arg9 : memref<!tpu.dma_semaphore, #tpu.memory_space<semaphore_mem>>) src(%dma_wait3A_101 : memref<8192xf32, #tpu.memory_space<hbm>>) dst(%dma_wait3A_100 : memref<8192xf32, #tpu.memory_space<vmem>>)
    %dma_wait3A_102 = arith.constant 8208 : i32
    %dma_wait3A_103 = tpu.memref_slice %arg6[%dma_wait3A_102] : memref<16400xf32, #tpu.memory_space<vmem>> -> memref<8192xf32, #tpu.memory_space<vmem>>
    %dma_wait3A_104 = tpu.memref_slice %arg3[%multiple_of3A_80] : memref<1048576xf32, #tpu.memory_space<hbm>> -> memref<8192xf32, #tpu.memory_space<hbm>>
    %dma_wait3A_105 = arith.constant 8208 : i32
    %dma_wait3A_106 = tpu.memref_slice %arg6[%dma_wait3A_105] : memref<16400xf32, #tpu.memory_space<vmem>> -> memref<8192xf32, #tpu.memory_space<vmem>>
    %dma_wait3A_107 = tpu.memref_slice %arg3[%multiple_of3A_80] : memref<1048576xf32, #tpu.memory_space<hbm>> -> memref<8192xf32, #tpu.memory_space<hbm>>
    tpu.wait_dma2 semaphore(%arg9 : memref<!tpu.dma_semaphore, #tpu.memory_space<semaphore_mem>>) src(%dma_wait3A_107 : memref<8192xf32, #tpu.memory_space<hbm>>) dst(%dma_wait3A_106 : memref<8192xf32, #tpu.memory_space<vmem>>)
    %parallel_loop3A_108 = arith.constant 512 : i32
    %parallel_loop3A_109 = arith.constant 1024 : i32
    %parallel_loop3A_110 = arith.constant 8 : i32
    %parallel_loop3A_111:2 = scf.for %parallel_loop3A_115 = %parallel_loop3A_108 to %parallel_loop3A_109 step %parallel_loop3A_110 iter_args(%parallel_loop3A_116 = %parallel_loop3A_95#0, %parallel_loop3A_117 = %parallel_loop3A_95#1) -> (vector<16xf32>, vector<16xf32>)  : i32 {
      %parallel_loop3A_118 = tpu.iota {dimensions = array<i32: 0>} : vector<16xi32>
      %parallel_loop3A_119 = arith.constant 0 : i32
      %parallel_loop3A_120 = arith.addi %parallel_loop3A_115, %parallel_loop3A_119 : i32
      %parallel_loop3A_121 = arith.constant 16 : i32
      %parallel_loop3A_122 = arith.muli %parallel_loop3A_120, %parallel_loop3A_121 : i32
      %parallel_loop3A_123 = arith.constant 16 : i32
      %parallel_loop3A_124 = arith.addi %parallel_loop3A_122, %parallel_loop3A_123 : i32
      %parallel_loop3A_125 = arith.index_cast %parallel_loop3A_124 : i32 to index
      %parallel_loop3A_126 = tpu.vector_load %arg5[%parallel_loop3A_125] {strides = array<i32>} : memref<16400xf32, #tpu.memory_space<vmem>>, vector<16xf32>,
      %parallel_loop3A_127 = vector.shape_cast %parallel_loop3A_126 : vector<16xf32> to vector<16xf32>
      %parallel_loop3A_128 = arith.constant 16 : i32
      %parallel_loop3A_129 = arith.addi %parallel_loop3A_122, %parallel_loop3A_128 : i32
      %parallel_loop3A_130 = arith.index_cast %parallel_loop3A_129 : i32 to index
      %parallel_loop3A_131 = tpu.vector_load %arg6[%parallel_loop3A_130] {strides = array<i32>} : memref<16400xf32, #tpu.memory_space<vmem>>, vector<16xf32>,
      %parallel_loop3A_132 = vector.shape_cast %parallel_loop3A_131 : vector<16xf32> to vector<16xf32>
      %parallel_loop3A_133 = arith.constant 15 : i32
      %parallel_loop3A_134 = arith.addi %parallel_loop3A_122, %parallel_loop3A_133 : i32
      %parallel_loop3A_135 = arith.index_cast %parallel_loop3A_134 : i32 to index
      %parallel_loop3A_136 = tpu.vector_load %arg5[%parallel_loop3A_135] {strides = array<i32>} : memref<16400xf32, #tpu.memory_space<vmem>>, vector<16xf32>,
      %parallel_loop3A_137 = vector.shape_cast %parallel_loop3A_136 : vector<16xf32> to vector<16xf32>
      %parallel_loop3A_138 = arith.constant 15 : i32
      %parallel_loop3A_139 = vector.broadcast %parallel_loop3A_138 : i32 to vector<16xi32>
      %parallel_loop3A_140 = arith.cmpi eq, %parallel_loop3A_118, %parallel_loop3A_139 : vector<16xi32>
      %parallel_loop3A_141 = arith.select %parallel_loop3A_140, %parallel_loop3A_117, %parallel_loop3A_132 : vector<16xi1>, vector<16xf32>
      %parallel_loop3A_142 = arith.constant 0 : i32
      %parallel_loop3A_143 = vector.broadcast %parallel_loop3A_142 : i32 to vector<16xi32>
      %parallel_loop3A_144 = arith.cmpi slt, %select_n3A_77, %parallel_loop3A_143 : vector<16xi32>
      %parallel_loop3A_145 = arith.constant 16 : i32
      %parallel_loop3A_146 = vector.broadcast %parallel_loop3A_145 : i32 to vector<16xi32>
      %parallel_loop3A_147 = arith.addi %select_n3A_77, %parallel_loop3A_146 : vector<16xi32>
      %parallel_loop3A_148 = arith.select %parallel_loop3A_144, %parallel_loop3A_147, %select_n3A_77 : vector<16xi1>, vector<16xi32>
      %parallel_loop3A_149 = vector.shape_cast %parallel_loop3A_148 : vector<16xi32> to vector<16x1xi32>
      %parallel_loop3A_150 = vector.shape_cast %parallel_loop3A_149 : vector<16x1xi32> to vector<16xi32>
      %parallel_loop3A_151 = tpu.dynamic_gather %parallel_loop3A_141[%parallel_loop3A_150] in [0] : vector<16xf32>, vector<16xi32> -> vector<16xf32>
      %parallel_loop3A_152 = arith.cmpf ogt, %parallel_loop3A_127, %parallel_loop3A_137 : vector<16xf32>
      %parallel_loop3A_153 = arith.cmpf ogt, %parallel_loop3A_132, %parallel_loop3A_151 : vector<16xf32>
      %parallel_loop3A_154 = arith.xori %parallel_loop3A_152, %parallel_loop3A_153 : vector<16xi1>
      %parallel_loop3A_155 = arith.subf %parallel_loop3A_132, %parallel_loop3A_127 : vector<16xf32>
      %parallel_loop3A_156 = arith.mulf %parallel_loop3A_155, %parallel_loop3A_155 : vector<16xf32>
      %parallel_loop3A_157 = arith.constant 1.000000e+04 : f32
      %parallel_loop3A_158 = vector.broadcast %parallel_loop3A_157 : f32 to vector<16xf32>
      %parallel_loop3A_159 = arith.mulf %parallel_loop3A_156, %parallel_loop3A_158 : vector<16xf32>
      %parallel_loop3A_160 = arith.select %parallel_loop3A_154, %parallel_loop3A_159, %parallel_loop3A_156 : vector<16xi1>, vector<16xf32>
      %parallel_loop3A_161 = arith.constant 1 : i32
      %parallel_loop3A_162 = arith.addi %parallel_loop3A_115, %parallel_loop3A_161 : i32
      %parallel_loop3A_163 = arith.constant 16 : i32
      %parallel_loop3A_164 = arith.muli %parallel_loop3A_162, %parallel_loop3A_163 : i32
      %parallel_loop3A_165 = arith.constant 16 : i32
      %parallel_loop3A_166 = arith.addi %parallel_loop3A_164, %parallel_loop3A_165 : i32
      %parallel_loop3A_167 = arith.index_cast %parallel_loop3A_166 : i32 to index
      %parallel_loop3A_168 = tpu.vector_load %arg5[%parallel_loop3A_167] {strides = array<i32>} : memref<16400xf32, #tpu.memory_space<vmem>>, vector<16xf32>,
      %parallel_loop3A_169 = vector.shape_cast %parallel_loop3A_168 : vector<16xf32> to vector<16xf32>
      %parallel_loop3A_170 = arith.constant 16 : i32
      %parallel_loop3A_171 = arith.addi %parallel_loop3A_164, %parallel_loop3A_170 : i32
      %parallel_loop3A_172 = arith.index_cast %parallel_loop3A_171 : i32 to index
      %parallel_loop3A_173 = tpu.vector_load %arg6[%parallel_loop3A_172] {strides = array<i32>} : memref<16400xf32, #tpu.memory_space<vmem>>, vector<16xf32>,
      %parallel_loop3A_174 = vector.shape_cast %parallel_loop3A_173 : vector<16xf32> to vector<16xf32>
      %parallel_loop3A_175 = arith.constant 15 : i32
      %parallel_loop3A_176 = arith.addi %parallel_loop3A_164, %parallel_loop3A_175 : i32
      %parallel_loop3A_177 = arith.index_cast %parallel_loop3A_176 : i32 to index
      %parallel_loop3A_178 = tpu.vector_load %arg5[%parallel_loop3A_177] {strides = array<i32>} : memref<16400xf32, #tpu.memory_space<vmem>>, vector<16xf32>,
      %parallel_loop3A_179 = vector.shape_cast %parallel_loop3A_178 : vector<16xf32> to vector<16xf32>
      %parallel_loop3A_180 = arith.constant 15 : i32
      %parallel_loop3A_181 = vector.broadcast %parallel_loop3A_180 : i32 to vector<16xi32>
      %parallel_loop3A_182 = arith.cmpi eq, %parallel_loop3A_118, %parallel_loop3A_181 : vector<16xi32>
      %parallel_loop3A_183 = arith.select %parallel_loop3A_182, %parallel_loop3A_132, %parallel_loop3A_174 : vector<16xi1>, vector<16xf32>
      %parallel_loop3A_184 = arith.constant 0 : i32
      %parallel_loop3A_185 = vector.broadcast %parallel_loop3A_184 : i32 to vector<16xi32>
      %parallel_loop3A_186 = arith.cmpi slt, %select_n3A_77, %parallel_loop3A_185 : vector<16xi32>
      %parallel_loop3A_187 = arith.constant 16 : i32
      %parallel_loop3A_188 = vector.broadcast %parallel_loop3A_187 : i32 to vector<16xi32>
      %parallel_loop3A_189 = arith.addi %select_n3A_77, %parallel_loop3A_188 : vector<16xi32>
      %parallel_loop3A_190 = arith.select %parallel_loop3A_186, %parallel_loop3A_189, %select_n3A_77 : vector<16xi1>, vector<16xi32>
      %parallel_loop3A_191 = vector.shape_cast %parallel_loop3A_190 : vector<16xi32> to vector<16x1xi32>
      %parallel_loop3A_192 = vector.shape_cast %parallel_loop3A_191 : vector<16x1xi32> to vector<16xi32>
      %parallel_loop3A_193 = tpu.dynamic_gather %parallel_loop3A_183[%parallel_loop3A_192] in [0] : vector<16xf32>, vector<16xi32> -> vector<16xf32>
      %parallel_loop3A_194 = arith.cmpf ogt, %parallel_loop3A_169, %parallel_loop3A_179 : vector<16xf32>
      %parallel_loop3A_195 = arith.cmpf ogt, %parallel_loop3A_174, %parallel_loop3A_193 : vector<16xf32>
      %parallel_loop3A_196 = arith.xori %parallel_loop3A_194, %parallel_loop3A_195 : vector<16xi1>
      %parallel_loop3A_197 = arith.subf %parallel_loop3A_174, %parallel_loop3A_169 : vector<16xf32>
      %parallel_loop3A_198 = arith.mulf %parallel_loop3A_197, %parallel_loop3A_197 : vector<16xf32>
      %parallel_loop3A_199 = arith.constant 1.000000e+04 : f32
      %parallel_loop3A_200 = vector.broadcast %parallel_loop3A_199 : f32 to vector<16xf32>
      %parallel_loop3A_201 = arith.mulf %parallel_loop3A_198, %parallel_loop3A_200 : vector<16xf32>
      %parallel_loop3A_202 = arith.select %parallel_loop3A_196, %parallel_loop3A_201, %parallel_loop3A_198 : vector<16xi1>, vector<16xf32>
      %parallel_loop3A_203 = arith.constant 2 : i32
      %parallel_loop3A_204 = arith.addi %parallel_loop3A_115, %parallel_loop3A_203 : i32
      %parallel_loop3A_205 = arith.constant 16 : i32
      %parallel_loop3A_206 = arith.muli %parallel_loop3A_204, %parallel_loop3A_205 : i32
      %parallel_loop3A_207 = arith.constant 16 : i32
      %parallel_loop3A_208 = arith.addi %parallel_loop3A_206, %parallel_loop3A_207 : i32
      %parallel_loop3A_209 = arith.index_cast %parallel_loop3A_208 : i32 to index
      %parallel_loop3A_210 = tpu.vector_load %arg5[%parallel_loop3A_209] {strides = array<i32>} : memref<16400xf32, #tpu.memory_space<vmem>>, vector<16xf32>,
      %parallel_loop3A_211 = vector.shape_cast %parallel_loop3A_210 : vector<16xf32> to vector<16xf32>
      %parallel_loop3A_212 = arith.constant 16 : i32
      %parallel_loop3A_213 = arith.addi %parallel_loop3A_206, %parallel_loop3A_212 : i32
      %parallel_loop3A_214 = arith.index_cast %parallel_loop3A_213 : i32 to index
      %parallel_loop3A_215 = tpu.vector_load %arg6[%parallel_loop3A_214] {strides = array<i32>} : memref<16400xf32, #tpu.memory_space<vmem>>, vector<16xf32>,
      %parallel_loop3A_216 = vector.shape_cast %parallel_loop3A_215 : vector<16xf32> to vector<16xf32>
      %parallel_loop3A_217 = arith.constant 15 : i32
      %parallel_loop3A_218 = arith.addi %parallel_loop3A_206, %parallel_loop3A_217 : i32
      %parallel_loop3A_219 = arith.index_cast %parallel_loop3A_218 : i32 to index
      %parallel_loop3A_220 = tpu.vector_load %arg5[%parallel_loop3A_219] {strides = array<i32>} : memref<16400xf32, #tpu.memory_space<vmem>>, vector<16xf32>,
      %parallel_loop3A_221 = vector.shape_cast %parallel_loop3A_220 : vector<16xf32> to vector<16xf32>
      %parallel_loop3A_222 = arith.constant 15 : i32
      %parallel_loop3A_223 = vector.broadcast %parallel_loop3A_222 : i32 to vector<16xi32>
      %parallel_loop3A_224 = arith.cmpi eq, %parallel_loop3A_118, %parallel_loop3A_223 : vector<16xi32>
      %parallel_loop3A_225 = arith.select %parallel_loop3A_224, %parallel_loop3A_174, %parallel_loop3A_216 : vector<16xi1>, vector<16xf32>
      %parallel_loop3A_226 = arith.constant 0 : i32
      %parallel_loop3A_227 = vector.broadcast %parallel_loop3A_226 : i32 to vector<16xi32>
      %parallel_loop3A_228 = arith.cmpi slt, %select_n3A_77, %parallel_loop3A_227 : vector<16xi32>
      %parallel_loop3A_229 = arith.constant 16 : i32
      %parallel_loop3A_230 = vector.broadcast %parallel_loop3A_229 : i32 to vector<16xi32>
      %parallel_loop3A_231 = arith.addi %select_n3A_77, %parallel_loop3A_230 : vector<16xi32>
      %parallel_loop3A_232 = arith.select %parallel_loop3A_228, %parallel_loop3A_231, %select_n3A_77 : vector<16xi1>, vector<16xi32>
      %parallel_loop3A_233 = vector.shape_cast %parallel_loop3A_232 : vector<16xi32> to vector<16x1xi32>
      %parallel_loop3A_234 = vector.shape_cast %parallel_loop3A_233 : vector<16x1xi32> to vector<16xi32>
      %parallel_loop3A_235 = tpu.dynamic_gather %parallel_loop3A_225[%parallel_loop3A_234] in [0] : vector<16xf32>, vector<16xi32> -> vector<16xf32>
      %parallel_loop3A_236 = arith.cmpf ogt, %parallel_loop3A_211, %parallel_loop3A_221 : vector<16xf32>
      %parallel_loop3A_237 = arith.cmpf ogt, %parallel_loop3A_216, %parallel_loop3A_235 : vector<16xf32>
      %parallel_loop3A_238 = arith.xori %parallel_loop3A_236, %parallel_loop3A_237 : vector<16xi1>
      %parallel_loop3A_239 = arith.subf %parallel_loop3A_216, %parallel_loop3A_211 : vector<16xf32>
      %parallel_loop3A_240 = arith.mulf %parallel_loop3A_239, %parallel_loop3A_239 : vector<16xf32>
      %parallel_loop3A_241 = arith.constant 1.000000e+04 : f32
      %parallel_loop3A_242 = vector.broadcast %parallel_loop3A_241 : f32 to vector<16xf32>
      %parallel_loop3A_243 = arith.mulf %parallel_loop3A_240, %parallel_loop3A_242 : vector<16xf32>
      %parallel_loop3A_244 = arith.select %parallel_loop3A_238, %parallel_loop3A_243, %parallel_loop3A_240 : vector<16xi1>, vector<16xf32>
      %parallel_loop3A_245 = arith.constant 3 : i32
      %parallel_loop3A_246 = arith.addi %parallel_loop3A_115, %parallel_loop3A_245 : i32
      %parallel_loop3A_247 = arith.constant 16 : i32
      %parallel_loop3A_248 = arith.muli %parallel_loop3A_246, %parallel_loop3A_247 : i32
      %parallel_loop3A_249 = arith.constant 16 : i32
      %parallel_loop3A_250 = arith.addi %parallel_loop3A_248, %parallel_loop3A_249 : i32
      %parallel_loop3A_251 = arith.index_cast %parallel_loop3A_250 : i32 to index
      %parallel_loop3A_252 = tpu.vector_load %arg5[%parallel_loop3A_251] {strides = array<i32>} : memref<16400xf32, #tpu.memory_space<vmem>>, vector<16xf32>,
      %parallel_loop3A_253 = vector.shape_cast %parallel_loop3A_252 : vector<16xf32> to vector<16xf32>
      %parallel_loop3A_254 = arith.constant 16 : i32
      %parallel_loop3A_255 = arith.addi %parallel_loop3A_248, %parallel_loop3A_254 : i32
      %parallel_loop3A_256 = arith.index_cast %parallel_loop3A_255 : i32 to index
      %parallel_loop3A_257 = tpu.vector_load %arg6[%parallel_loop3A_256] {strides = array<i32>} : memref<16400xf32, #tpu.memory_space<vmem>>, vector<16xf32>,
      %parallel_loop3A_258 = vector.shape_cast %parallel_loop3A_257 : vector<16xf32> to vector<16xf32>
      %parallel_loop3A_259 = arith.constant 15 : i32
      %parallel_loop3A_260 = arith.addi %parallel_loop3A_248, %parallel_loop3A_259 : i32
      %parallel_loop3A_261 = arith.index_cast %parallel_loop3A_260 : i32 to index
      %parallel_loop3A_262 = tpu.vector_load %arg5[%parallel_loop3A_261] {strides = array<i32>} : memref<16400xf32, #tpu.memory_space<vmem>>, vector<16xf32>,
      %parallel_loop3A_263 = vector.shape_cast %parallel_loop3A_262 : vector<16xf32> to vector<16xf32>
      %parallel_loop3A_264 = arith.constant 15 : i32
      %parallel_loop3A_265 = vector.broadcast %parallel_loop3A_264 : i32 to vector<16xi32>
      %parallel_loop3A_266 = arith.cmpi eq, %parallel_loop3A_118, %parallel_loop3A_265 : vector<16xi32>
      %parallel_loop3A_267 = arith.select %parallel_loop3A_266, %parallel_loop3A_216, %parallel_loop3A_258 : vector<16xi1>, vector<16xf32>
      %parallel_loop3A_268 = arith.constant 0 : i32
      %parallel_loop3A_269 = vector.broadcast %parallel_loop3A_268 : i32 to vector<16xi32>
      %parallel_loop3A_270 = arith.cmpi slt, %select_n3A_77, %parallel_loop3A_269 : vector<16xi32>
      %parallel_loop3A_271 = arith.constant 16 : i32
      %parallel_loop3A_272 = vector.broadcast %parallel_loop3A_271 : i32 to vector<16xi32>
      %parallel_loop3A_273 = arith.addi %select_n3A_77, %parallel_loop3A_272 : vector<16xi32>
      %parallel_loop3A_274 = arith.select %parallel_loop3A_270, %parallel_loop3A_273, %select_n3A_77 : vector<16xi1>, vector<16xi32>
      %parallel_loop3A_275 = vector.shape_cast %parallel_loop3A_274 : vector<16xi32> to vector<16x1xi32>
      %parallel_loop3A_276 = vector.shape_cast %parallel_loop3A_275 : vector<16x1xi32> to vector<16xi32>
      %parallel_loop3A_277 = tpu.dynamic_gather %parallel_loop3A_267[%parallel_loop3A_276] in [0] : vector<16xf32>, vector<16xi32> -> vector<16xf32>
      %parallel_loop3A_278 = arith.cmpf ogt, %parallel_loop3A_253, %parallel_loop3A_263 : vector<16xf32>
      %parallel_loop3A_279 = arith.cmpf ogt, %parallel_loop3A_258, %parallel_loop3A_277 : vector<16xf32>
      %parallel_loop3A_280 = arith.xori %parallel_loop3A_278, %parallel_loop3A_279 : vector<16xi1>
      %parallel_loop3A_281 = arith.subf %parallel_loop3A_258, %parallel_loop3A_253 : vector<16xf32>
      %parallel_loop3A_282 = arith.mulf %parallel_loop3A_281, %parallel_loop3A_281 : vector<16xf32>
      %parallel_loop3A_283 = arith.constant 1.000000e+04 : f32
      %parallel_loop3A_284 = vector.broadcast %parallel_loop3A_283 : f32 to vector<16xf32>
      %parallel_loop3A_285 = arith.mulf %parallel_loop3A_282, %parallel_loop3A_284 : vector<16xf32>
      %parallel_loop3A_286 = arith.select %parallel_loop3A_280, %parallel_loop3A_285, %parallel_loop3A_282 : vector<16xi1>, vector<16xf32>
      %parallel_loop3A_287 = arith.constant 4 : i32
      %parallel_loop3A_288 = arith.addi %parallel_loop3A_115, %parallel_loop3A_287 : i32
      %parallel_loop3A_289 = arith.constant 16 : i32
      %parallel_loop3A_290 = arith.muli %parallel_loop3A_288, %parallel_loop3A_289 : i32
      %parallel_loop3A_291 = arith.constant 16 : i32
      %parallel_loop3A_292 = arith.addi %parallel_loop3A_290, %parallel_loop3A_291 : i32
      %parallel_loop3A_293 = arith.index_cast %parallel_loop3A_292 : i32 to index
      %parallel_loop3A_294 = tpu.vector_load %arg5[%parallel_loop3A_293] {strides = array<i32>} : memref<16400xf32, #tpu.memory_space<vmem>>, vector<16xf32>,
      %parallel_loop3A_295 = vector.shape_cast %parallel_loop3A_294 : vector<16xf32> to vector<16xf32>
      %parallel_loop3A_296 = arith.constant 16 : i32
      %parallel_loop3A_297 = arith.addi %parallel_loop3A_290, %parallel_loop3A_296 : i32
      %parallel_loop3A_298 = arith.index_cast %parallel_loop3A_297 : i32 to index
      %parallel_loop3A_299 = tpu.vector_load %arg6[%parallel_loop3A_298] {strides = array<i32>} : memref<16400xf32, #tpu.memory_space<vmem>>, vector<16xf32>,
      %parallel_loop3A_300 = vector.shape_cast %parallel_loop3A_299 : vector<16xf32> to vector<16xf32>
      %parallel_loop3A_301 = arith.constant 15 : i32
      %parallel_loop3A_302 = arith.addi %parallel_loop3A_290, %parallel_loop3A_301 : i32
      %parallel_loop3A_303 = arith.index_cast %parallel_loop3A_302 : i32 to index
      %parallel_loop3A_304 = tpu.vector_load %arg5[%parallel_loop3A_303] {strides = array<i32>} : memref<16400xf32, #tpu.memory_space<vmem>>, vector<16xf32>,
      %parallel_loop3A_305 = vector.shape_cast %parallel_loop3A_304 : vector<16xf32> to vector<16xf32>
      %parallel_loop3A_306 = arith.constant 15 : i32
      %parallel_loop3A_307 = vector.broadcast %parallel_loop3A_306 : i32 to vector<16xi32>
      %parallel_loop3A_308 = arith.cmpi eq, %parallel_loop3A_118, %parallel_loop3A_307 : vector<16xi32>
      %parallel_loop3A_309 = arith.select %parallel_loop3A_308, %parallel_loop3A_258, %parallel_loop3A_300 : vector<16xi1>, vector<16xf32>
      %parallel_loop3A_310 = arith.constant 0 : i32
      %parallel_loop3A_311 = vector.broadcast %parallel_loop3A_310 : i32 to vector<16xi32>
      %parallel_loop3A_312 = arith.cmpi slt, %select_n3A_77, %parallel_loop3A_311 : vector<16xi32>
      %parallel_loop3A_313 = arith.constant 16 : i32
      %parallel_loop3A_314 = vector.broadcast %parallel_loop3A_313 : i32 to vector<16xi32>
      %parallel_loop3A_315 = arith.addi %select_n3A_77, %parallel_loop3A_314 : vector<16xi32>
      %parallel_loop3A_316 = arith.select %parallel_loop3A_312, %parallel_loop3A_315, %select_n3A_77 : vector<16xi1>, vector<16xi32>
      %parallel_loop3A_317 = vector.shape_cast %parallel_loop3A_316 : vector<16xi32> to vector<16x1xi32>
      %parallel_loop3A_318 = vector.shape_cast %parallel_loop3A_317 : vector<16x1xi32> to vector<16xi32>
      %parallel_loop3A_319 = tpu.dynamic_gather %parallel_loop3A_309[%parallel_loop3A_318] in [0] : vector<16xf32>, vector<16xi32> -> vector<16xf32>
      %parallel_loop3A_320 = arith.cmpf ogt, %parallel_loop3A_295, %parallel_loop3A_305 : vector<16xf32>
      %parallel_loop3A_321 = arith.cmpf ogt, %parallel_loop3A_300, %parallel_loop3A_319 : vector<16xf32>
      %parallel_loop3A_322 = arith.xori %parallel_loop3A_320, %parallel_loop3A_321 : vector<16xi1>
      %parallel_loop3A_323 = arith.subf %parallel_loop3A_300, %parallel_loop3A_295 : vector<16xf32>
      %parallel_loop3A_324 = arith.mulf %parallel_loop3A_323, %parallel_loop3A_323 : vector<16xf32>
      %parallel_loop3A_325 = arith.constant 1.000000e+04 : f32
      %parallel_loop3A_326 = vector.broadcast %parallel_loop3A_325 : f32 to vector<16xf32>
      %parallel_loop3A_327 = arith.mulf %parallel_loop3A_324, %parallel_loop3A_326 : vector<16xf32>
      %parallel_loop3A_328 = arith.select %parallel_loop3A_322, %parallel_loop3A_327, %parallel_loop3A_324 : vector<16xi1>, vector<16xf32>
      %parallel_loop3A_329 = arith.constant 5 : i32
      %parallel_loop3A_330 = arith.addi %parallel_loop3A_115, %parallel_loop3A_329 : i32
      %parallel_loop3A_331 = arith.constant 16 : i32
      %parallel_loop3A_332 = arith.muli %parallel_loop3A_330, %parallel_loop3A_331 : i32
      %parallel_loop3A_333 = arith.constant 16 : i32
      %parallel_loop3A_334 = arith.addi %parallel_loop3A_332, %parallel_loop3A_333 : i32
      %parallel_loop3A_335 = arith.index_cast %parallel_loop3A_334 : i32 to index
      %parallel_loop3A_336 = tpu.vector_load %arg5[%parallel_loop3A_335] {strides = array<i32>} : memref<16400xf32, #tpu.memory_space<vmem>>, vector<16xf32>,
      %parallel_loop3A_337 = vector.shape_cast %parallel_loop3A_336 : vector<16xf32> to vector<16xf32>
      %parallel_loop3A_338 = arith.constant 16 : i32
      %parallel_loop3A_339 = arith.addi %parallel_loop3A_332, %parallel_loop3A_338 : i32
      %parallel_loop3A_340 = arith.index_cast %parallel_loop3A_339 : i32 to index
      %parallel_loop3A_341 = tpu.vector_load %arg6[%parallel_loop3A_340] {strides = array<i32>} : memref<16400xf32, #tpu.memory_space<vmem>>, vector<16xf32>,
      %parallel_loop3A_342 = vector.shape_cast %parallel_loop3A_341 : vector<16xf32> to vector<16xf32>
      %parallel_loop3A_343 = arith.constant 15 : i32
      %parallel_loop3A_344 = arith.addi %parallel_loop3A_332, %parallel_loop3A_343 : i32
      %parallel_loop3A_345 = arith.index_cast %parallel_loop3A_344 : i32 to index
      %parallel_loop3A_346 = tpu.vector_load %arg5[%parallel_loop3A_345] {strides = array<i32>} : memref<16400xf32, #tpu.memory_space<vmem>>, vector<16xf32>,
      %parallel_loop3A_347 = vector.shape_cast %parallel_loop3A_346 : vector<16xf32> to vector<16xf32>
      %parallel_loop3A_348 = arith.constant 15 : i32
      %parallel_loop3A_349 = vector.broadcast %parallel_loop3A_348 : i32 to vector<16xi32>
      %parallel_loop3A_350 = arith.cmpi eq, %parallel_loop3A_118, %parallel_loop3A_349 : vector<16xi32>
      %parallel_loop3A_351 = arith.select %parallel_loop3A_350, %parallel_loop3A_300, %parallel_loop3A_342 : vector<16xi1>, vector<16xf32>
      %parallel_loop3A_352 = arith.constant 0 : i32
      %parallel_loop3A_353 = vector.broadcast %parallel_loop3A_352 : i32 to vector<16xi32>
      %parallel_loop3A_354 = arith.cmpi slt, %select_n3A_77, %parallel_loop3A_353 : vector<16xi32>
      %parallel_loop3A_355 = arith.constant 16 : i32
      %parallel_loop3A_356 = vector.broadcast %parallel_loop3A_355 : i32 to vector<16xi32>
      %parallel_loop3A_357 = arith.addi %select_n3A_77, %parallel_loop3A_356 : vector<16xi32>
      %parallel_loop3A_358 = arith.select %parallel_loop3A_354, %parallel_loop3A_357, %select_n3A_77 : vector<16xi1>, vector<16xi32>
      %parallel_loop3A_359 = vector.shape_cast %parallel_loop3A_358 : vector<16xi32> to vector<16x1xi32>
      %parallel_loop3A_360 = vector.shape_cast %parallel_loop3A_359 : vector<16x1xi32> to vector<16xi32>
      %parallel_loop3A_361 = tpu.dynamic_gather %parallel_loop3A_351[%parallel_loop3A_360] in [0] : vector<16xf32>, vector<16xi32> -> vector<16xf32>
      %parallel_loop3A_362 = arith.cmpf ogt, %parallel_loop3A_337, %parallel_loop3A_347 : vector<16xf32>
      %parallel_loop3A_363 = arith.cmpf ogt, %parallel_loop3A_342, %parallel_loop3A_361 : vector<16xf32>
      %parallel_loop3A_364 = arith.xori %parallel_loop3A_362, %parallel_loop3A_363 : vector<16xi1>
      %parallel_loop3A_365 = arith.subf %parallel_loop3A_342, %parallel_loop3A_337 : vector<16xf32>
      %parallel_loop3A_366 = arith.mulf %parallel_loop3A_365, %parallel_loop3A_365 : vector<16xf32>
      %parallel_loop3A_367 = arith.constant 1.000000e+04 : f32
      %parallel_loop3A_368 = vector.broadcast %parallel_loop3A_367 : f32 to vector<16xf32>
      %parallel_loop3A_369 = arith.mulf %parallel_loop3A_366, %parallel_loop3A_368 : vector<16xf32>
      %parallel_loop3A_370 = arith.select %parallel_loop3A_364, %parallel_loop3A_369, %parallel_loop3A_366 : vector<16xi1>, vector<16xf32>
      %parallel_loop3A_371 = arith.constant 6 : i32
      %parallel_loop3A_372 = arith.addi %parallel_loop3A_115, %parallel_loop3A_371 : i32
      %parallel_loop3A_373 = arith.constant 16 : i32
      %parallel_loop3A_374 = arith.muli %parallel_loop3A_372, %parallel_loop3A_373 : i32
      %parallel_loop3A_375 = arith.constant 16 : i32
      %parallel_loop3A_376 = arith.addi %parallel_loop3A_374, %parallel_loop3A_375 : i32
      %parallel_loop3A_377 = arith.index_cast %parallel_loop3A_376 : i32 to index
      %parallel_loop3A_378 = tpu.vector_load %arg5[%parallel_loop3A_377] {strides = array<i32>} : memref<16400xf32, #tpu.memory_space<vmem>>, vector<16xf32>,
      %parallel_loop3A_379 = vector.shape_cast %parallel_loop3A_378 : vector<16xf32> to vector<16xf32>
      %parallel_loop3A_380 = arith.constant 16 : i32
      %parallel_loop3A_381 = arith.addi %parallel_loop3A_374, %parallel_loop3A_380 : i32
      %parallel_loop3A_382 = arith.index_cast %parallel_loop3A_381 : i32 to index
      %parallel_loop3A_383 = tpu.vector_load %arg6[%parallel_loop3A_382] {strides = array<i32>} : memref<16400xf32, #tpu.memory_space<vmem>>, vector<16xf32>,
      %parallel_loop3A_384 = vector.shape_cast %parallel_loop3A_383 : vector<16xf32> to vector<16xf32>
      %parallel_loop3A_385 = arith.constant 15 : i32
      %parallel_loop3A_386 = arith.addi %parallel_loop3A_374, %parallel_loop3A_385 : i32
      %parallel_loop3A_387 = arith.index_cast %parallel_loop3A_386 : i32 to index
      %parallel_loop3A_388 = tpu.vector_load %arg5[%parallel_loop3A_387] {strides = array<i32>} : memref<16400xf32, #tpu.memory_space<vmem>>, vector<16xf32>,
      %parallel_loop3A_389 = vector.shape_cast %parallel_loop3A_388 : vector<16xf32> to vector<16xf32>
      %parallel_loop3A_390 = arith.constant 15 : i32
      %parallel_loop3A_391 = vector.broadcast %parallel_loop3A_390 : i32 to vector<16xi32>
      %parallel_loop3A_392 = arith.cmpi eq, %parallel_loop3A_118, %parallel_loop3A_391 : vector<16xi32>
      %parallel_loop3A_393 = arith.select %parallel_loop3A_392, %parallel_loop3A_342, %parallel_loop3A_384 : vector<16xi1>, vector<16xf32>
      %parallel_loop3A_394 = arith.constant 0 : i32
      %parallel_loop3A_395 = vector.broadcast %parallel_loop3A_394 : i32 to vector<16xi32>
      %parallel_loop3A_396 = arith.cmpi slt, %select_n3A_77, %parallel_loop3A_395 : vector<16xi32>
      %parallel_loop3A_397 = arith.constant 16 : i32
      %parallel_loop3A_398 = vector.broadcast %parallel_loop3A_397 : i32 to vector<16xi32>
      %parallel_loop3A_399 = arith.addi %select_n3A_77, %parallel_loop3A_398 : vector<16xi32>
      %parallel_loop3A_400 = arith.select %parallel_loop3A_396, %parallel_loop3A_399, %select_n3A_77 : vector<16xi1>, vector<16xi32>
      %parallel_loop3A_401 = vector.shape_cast %parallel_loop3A_400 : vector<16xi32> to vector<16x1xi32>
      %parallel_loop3A_402 = vector.shape_cast %parallel_loop3A_401 : vector<16x1xi32> to vector<16xi32>
      %parallel_loop3A_403 = tpu.dynamic_gather %parallel_loop3A_393[%parallel_loop3A_402] in [0] : vector<16xf32>, vector<16xi32> -> vector<16xf32>
      %parallel_loop3A_404 = arith.cmpf ogt, %parallel_loop3A_379, %parallel_loop3A_389 : vector<16xf32>
      %parallel_loop3A_405 = arith.cmpf ogt, %parallel_loop3A_384, %parallel_loop3A_403 : vector<16xf32>
      %parallel_loop3A_406 = arith.xori %parallel_loop3A_404, %parallel_loop3A_405 : vector<16xi1>
      %parallel_loop3A_407 = arith.subf %parallel_loop3A_384, %parallel_loop3A_379 : vector<16xf32>
      %parallel_loop3A_408 = arith.mulf %parallel_loop3A_407, %parallel_loop3A_407 : vector<16xf32>
      %parallel_loop3A_409 = arith.constant 1.000000e+04 : f32
      %parallel_loop3A_410 = vector.broadcast %parallel_loop3A_409 : f32 to vector<16xf32>
      %parallel_loop3A_411 = arith.mulf %parallel_loop3A_408, %parallel_loop3A_410 : vector<16xf32>
      %parallel_loop3A_412 = arith.select %parallel_loop3A_406, %parallel_loop3A_411, %parallel_loop3A_408 : vector<16xi1>, vector<16xf32>
      %parallel_loop3A_413 = arith.constant 7 : i32
      %parallel_loop3A_414 = arith.addi %parallel_loop3A_115, %parallel_loop3A_413 : i32
      %parallel_loop3A_415 = arith.constant 16 : i32
      %parallel_loop3A_416 = arith.muli %parallel_loop3A_414, %parallel_loop3A_415 : i32
      %parallel_loop3A_417 = arith.constant 16 : i32
      %parallel_loop3A_418 = arith.addi %parallel_loop3A_416, %parallel_loop3A_417 : i32
      %parallel_loop3A_419 = arith.index_cast %parallel_loop3A_418 : i32 to index
      %parallel_loop3A_420 = tpu.vector_load %arg5[%parallel_loop3A_419] {strides = array<i32>} : memref<16400xf32, #tpu.memory_space<vmem>>, vector<16xf32>,
      %parallel_loop3A_421 = vector.shape_cast %parallel_loop3A_420 : vector<16xf32> to vector<16xf32>
      %parallel_loop3A_422 = arith.constant 16 : i32
      %parallel_loop3A_423 = arith.addi %parallel_loop3A_416, %parallel_loop3A_422 : i32
      %parallel_loop3A_424 = arith.index_cast %parallel_loop3A_423 : i32 to index
      %parallel_loop3A_425 = tpu.vector_load %arg6[%parallel_loop3A_424] {strides = array<i32>} : memref<16400xf32, #tpu.memory_space<vmem>>, vector<16xf32>,
      %parallel_loop3A_426 = vector.shape_cast %parallel_loop3A_425 : vector<16xf32> to vector<16xf32>
      %parallel_loop3A_427 = arith.constant 15 : i32
      %parallel_loop3A_428 = arith.addi %parallel_loop3A_416, %parallel_loop3A_427 : i32
      %parallel_loop3A_429 = arith.index_cast %parallel_loop3A_428 : i32 to index
      %parallel_loop3A_430 = tpu.vector_load %arg5[%parallel_loop3A_429] {strides = array<i32>} : memref<16400xf32, #tpu.memory_space<vmem>>, vector<16xf32>,
      %parallel_loop3A_431 = vector.shape_cast %parallel_loop3A_430 : vector<16xf32> to vector<16xf32>
      %parallel_loop3A_432 = arith.constant 15 : i32
      %parallel_loop3A_433 = vector.broadcast %parallel_loop3A_432 : i32 to vector<16xi32>
      %parallel_loop3A_434 = arith.cmpi eq, %parallel_loop3A_118, %parallel_loop3A_433 : vector<16xi32>
      %parallel_loop3A_435 = arith.select %parallel_loop3A_434, %parallel_loop3A_384, %parallel_loop3A_426 : vector<16xi1>, vector<16xf32>
      %parallel_loop3A_436 = arith.constant 0 : i32
      %parallel_loop3A_437 = vector.broadcast %parallel_loop3A_436 : i32 to vector<16xi32>
      %parallel_loop3A_438 = arith.cmpi slt, %select_n3A_77, %parallel_loop3A_437 : vector<16xi32>
      %parallel_loop3A_439 = arith.constant 16 : i32
      %parallel_loop3A_440 = vector.broadcast %parallel_loop3A_439 : i32 to vector<16xi32>
      %parallel_loop3A_441 = arith.addi %select_n3A_77, %parallel_loop3A_440 : vector<16xi32>
      %parallel_loop3A_442 = arith.select %parallel_loop3A_438, %parallel_loop3A_441, %select_n3A_77 : vector<16xi1>, vector<16xi32>
      %parallel_loop3A_443 = vector.shape_cast %parallel_loop3A_442 : vector<16xi32> to vector<16x1xi32>
      %parallel_loop3A_444 = vector.shape_cast %parallel_loop3A_443 : vector<16x1xi32> to vector<16xi32>
      %parallel_loop3A_445 = tpu.dynamic_gather %parallel_loop3A_435[%parallel_loop3A_444] in [0] : vector<16xf32>, vector<16xi32> -> vector<16xf32>
      %parallel_loop3A_446 = arith.cmpf ogt, %parallel_loop3A_421, %parallel_loop3A_431 : vector<16xf32>
      %parallel_loop3A_447 = arith.cmpf ogt, %parallel_loop3A_426, %parallel_loop3A_445 : vector<16xf32>
      %parallel_loop3A_448 = arith.xori %parallel_loop3A_446, %parallel_loop3A_447 : vector<16xi1>
      %parallel_loop3A_449 = arith.subf %parallel_loop3A_426, %parallel_loop3A_421 : vector<16xf32>
      %parallel_loop3A_450 = arith.mulf %parallel_loop3A_449, %parallel_loop3A_449 : vector<16xf32>
      %parallel_loop3A_451 = arith.constant 1.000000e+04 : f32
      %parallel_loop3A_452 = vector.broadcast %parallel_loop3A_451 : f32 to vector<16xf32>
      %parallel_loop3A_453 = arith.mulf %parallel_loop3A_450, %parallel_loop3A_452 : vector<16xf32>
      %parallel_loop3A_454 = arith.select %parallel_loop3A_448, %parallel_loop3A_453, %parallel_loop3A_450 : vector<16xi1>, vector<16xf32>
      %parallel_loop3A_455 = arith.addf %parallel_loop3A_160, %parallel_loop3A_202 : vector<16xf32>
      %parallel_loop3A_456 = arith.addf %parallel_loop3A_244, %parallel_loop3A_286 : vector<16xf32>
      %parallel_loop3A_457 = arith.addf %parallel_loop3A_328, %parallel_loop3A_370 : vector<16xf32>
      %parallel_loop3A_458 = arith.addf %parallel_loop3A_412, %parallel_loop3A_454 : vector<16xf32>
      %parallel_loop3A_459 = arith.addf %parallel_loop3A_455, %parallel_loop3A_456 : vector<16xf32>
      %parallel_loop3A_460 = arith.addf %parallel_loop3A_457, %parallel_loop3A_458 : vector<16xf32>
      %parallel_loop3A_461 = arith.addf %parallel_loop3A_459, %parallel_loop3A_460 : vector<16xf32>
      %parallel_loop3A_462 = arith.addf %parallel_loop3A_116, %parallel_loop3A_461 : vector<16xf32>
      scf.yield %parallel_loop3A_462, %parallel_loop3A_426 : vector<16xf32>, vector<16xf32>
    } {sc.loop_unroll_factor = 1 : i64, sc.parallel_access}
    %swap3A = arith.constant 0 : index
    %swap3A_112 = tpu.vector_load %arg7[%swap3A] {strides = array<i32>} : memref<16xf32, #tpu.memory_space<vmem>>, vector<16xf32>,
    %swap3A_113 = vector.shape_cast %swap3A_112 : vector<16xf32> to vector<16xf32>
    %swap3A_114 = vector.shape_cast %parallel_loop3A_111#0 : vector<16xf32> to vector<16xf32>
    tpu.vector_store %arg7[%swap3A], %swap3A_114 {strides = array<i32>} : memref<16xf32, #tpu.memory_space<vmem>>, vector<16xf32>,
    "tpu.region"() ({
      %run_scoped3A = tpu.sem_alloc : memref<!tpu.dma_semaphore, #tpu.memory_space<semaphore_mem>>
      %dma_start3A_115 = arith.constant 0 : i32
      %dma_start3A_116 = tpu.memref_slice %arg4[%add3A, %dma_start3A_115] : memref<32x16xf32, #tpu.memory_space<hbm>> -> memref<1x16xf32, #tpu.memory_space<hbm>>
      %dma_start3A_117 = tpu.memref_squeeze %dma_start3A_116 : memref<1x16xf32, #tpu.memory_space<hbm>> -> memref<16xf32, #tpu.memory_space<hbm>>
      %dma_start3A_118 = arith.constant 0 : i32
      %dma_start3A_119 = tpu.memref_slice %arg4[%add3A, %dma_start3A_118] : memref<32x16xf32, #tpu.memory_space<hbm>> -> memref<1x16xf32, #tpu.memory_space<hbm>>
      %dma_start3A_120 = tpu.memref_squeeze %dma_start3A_119 : memref<1x16xf32, #tpu.memory_space<hbm>> -> memref<16xf32, #tpu.memory_space<hbm>>
      tpu.enqueue_dma source(%arg7 : memref<16xf32, #tpu.memory_space<vmem>>) target(%dma_start3A_120 : memref<16xf32, #tpu.memory_space<hbm>>) target_semaphore(%run_scoped3A : memref<!tpu.dma_semaphore, #tpu.memory_space<semaphore_mem>>)
      %dma_wait3A_121 = arith.constant 0 : i32
      %dma_wait3A_122 = tpu.memref_slice %arg4[%add3A, %dma_wait3A_121] : memref<32x16xf32, #tpu.memory_space<hbm>> -> memref<1x16xf32, #tpu.memory_space<hbm>>
      %dma_wait3A_123 = tpu.memref_squeeze %dma_wait3A_122 : memref<1x16xf32, #tpu.memory_space<hbm>> -> memref<16xf32, #tpu.memory_space<hbm>>
      %dma_wait3A_124 = arith.constant 0 : i32
      %dma_wait3A_125 = tpu.memref_slice %arg4[%add3A, %dma_wait3A_124] : memref<32x16xf32, #tpu.memory_space<hbm>> -> memref<1x16xf32, #tpu.memory_space<hbm>>
      %dma_wait3A_126 = tpu.memref_squeeze %dma_wait3A_125 : memref<1x16xf32, #tpu.memory_space<hbm>> -> memref<16xf32, #tpu.memory_space<hbm>>
      tpu.wait_dma2 semaphore(%run_scoped3A : memref<!tpu.dma_semaphore, #tpu.memory_space<semaphore_mem>>) src(%arg7 : memref<16xf32, #tpu.memory_space<vmem>>) dst(%dma_wait3A_126 : memref<16xf32, #tpu.memory_space<hbm>>)
      tpu.yield
    }) : () -> ()
    return
  }
}

module attributes {stable_mosaic.version = 14 : i64} {
  func.func @_tc_body(%arg0: i32, %arg1: memref<1024x128xf32, #tpu.memory_space<vmem>>, %arg2: memref<1024x128xf32, #tpu.memory_space<vmem>>, %arg3: memref<8x128xf32, #tpu.memory_space<vmem>>, %arg4: memref<8x128xf32, #tpu.memory_space<vmem>>, %arg5: memref<1x1xf32, #tpu.memory_space<smem>>) attributes {dimension_semantics = [#tpu.dimension_semantics<arbitrary>], iteration_bounds = array<i64: 4>, scalar_prefetch = 0 : i64, scratch_operands = 0 : i64, tpu.core_type = #tpu.core_type<tc>, window_params = [{transform_indices = @transform_0, window_bounds = array<i64: 1024, 128>}, {transform_indices = @transform_1, window_bounds = array<i64: 1024, 128>}, {transform_indices = @transform_2, window_bounds = array<i64: 8, 128>}, {transform_indices = @transform_3, window_bounds = array<i64: 8, 128>}, {transform_indices = @transform_4, window_bounds = array<i64: 1, 1>}]} {
    %get3A = arith.constant 0 : index
    %get3A_0 = arith.constant 0 : index
    %get3A_1 = vector.load %arg1[%get3A, %get3A_0] : memref<1024x128xf32, #tpu.memory_space<vmem>>, vector<1024x128xf32>
    %get3A_2 = arith.constant 0 : index
    %get3A_3 = arith.constant 0 : index
    %get3A_4 = vector.load %arg2[%get3A_2, %get3A_3] : memref<1024x128xf32, #tpu.memory_space<vmem>>, vector<1024x128xf32>
    %eq3A = arith.constant 0 : i32
    %eq3A_5 = arith.cmpi eq, %arg0, %eq3A : i32
    %slice3A = vector.extract_strided_slice %get3A_1 {offsets = [0, 0], sizes = [1, 1], strides = [1, 1]} : vector<1024x128xf32> to vector<1x1xf32>
    %get3A_6 = arith.constant 7 : index
    %get3A_7 = arith.constant 127 : index
    %get3A_8 = vector.load %arg3[%get3A_6, %get3A_7] : memref<8x128xf32, #tpu.memory_space<vmem>>, vector<1x1xf32>
    %select_n3A = arith.select %eq3A_5, %slice3A, %get3A_8 : vector<1x1xf32>
    %eq3A_9 = arith.constant 0 : i32
    %eq3A_10 = arith.cmpi eq, %arg0, %eq3A_9 : i32
    %slice3A_11 = vector.extract_strided_slice %get3A_4 {offsets = [0, 0], sizes = [1, 1], strides = [1, 1]} : vector<1024x128xf32> to vector<1x1xf32>
    %get3A_12 = arith.constant 7 : index
    %get3A_13 = arith.constant 127 : index
    %get3A_14 = vector.load %arg4[%get3A_12, %get3A_13] : memref<8x128xf32, #tpu.memory_space<vmem>>, vector<1x1xf32>
    %select_n3A_15 = arith.select %eq3A_10, %slice3A_11, %get3A_14 : vector<1x1xf32>
    %slice3A_16 = vector.extract_strided_slice %get3A_1 {offsets = [0, 127], sizes = [1023, 1], strides = [1, 1]} : vector<1024x128xf32> to vector<1023x1xf32>
    %concatenate3A = tpu.concatenate %select_n3A, %slice3A_16 in 0 : vector<1x1xf32>, vector<1023x1xf32> -> vector<1024x1xf32>
    %slice3A_17 = vector.extract_strided_slice %get3A_4 {offsets = [0, 127], sizes = [1023, 1], strides = [1, 1]} : vector<1024x128xf32> to vector<1023x1xf32>
    %concatenate3A_18 = tpu.concatenate %select_n3A_15, %slice3A_17 in 0 : vector<1x1xf32>, vector<1023x1xf32> -> vector<1024x1xf32>
    %slice3A_19 = vector.extract_strided_slice %get3A_1 {offsets = [0, 0], sizes = [1024, 127], strides = [1, 1]} : vector<1024x128xf32> to vector<1024x127xf32>
    %concatenate3A_20 = tpu.concatenate %concatenate3A, %slice3A_19 in 1 : vector<1024x1xf32>, vector<1024x127xf32> -> vector<1024x128xf32>
    %slice3A_21 = vector.extract_strided_slice %get3A_4 {offsets = [0, 0], sizes = [1024, 127], strides = [1, 1]} : vector<1024x128xf32> to vector<1024x127xf32>
    %concatenate3A_22 = tpu.concatenate %concatenate3A_18, %slice3A_21 in 1 : vector<1024x1xf32>, vector<1024x127xf32> -> vector<1024x128xf32>
    %gt3A = arith.cmpf ogt, %get3A_1, %concatenate3A_20 : vector<1024x128xf32>
    %gt3A_23 = arith.cmpf ogt, %get3A_4, %concatenate3A_22 : vector<1024x128xf32>
    %xor3A = arith.xori %gt3A, %gt3A_23 : vector<1024x128xi1>
    %sub3A = arith.subf %get3A_4, %get3A_1 : vector<1024x128xf32>
    %mul3A = arith.mulf %sub3A, %sub3A : vector<1024x128xf32>
    %mul3A_24 = arith.constant 1.000000e+04 : f32
    %mul3A_25 = vector.broadcast %mul3A_24 : f32 to vector<1024x128xf32>
    %mul3A_26 = arith.mulf %mul3A, %mul3A_25 : vector<1024x128xf32>
    %select_n3A_27 = arith.select %xor3A, %mul3A_26, %mul3A : vector<1024x128xi1>, vector<1024x128xf32>
    %reduce_sum3A = vector.shape_cast %select_n3A_27 : vector<1024x128xf32> to vector<1x1024x128xf32>
    %reduce_sum3A_28 = arith.constant dense<0.000000e+00> : vector<1xf32>
    %reduce_sum3A_29 = vector.multi_reduction <add>, %reduce_sum3A, %reduce_sum3A_28 [1, 2] : vector<1x1024x128xf32> to vector<1xf32>
    %reduce_sum3A_30 = vector.shape_cast %reduce_sum3A_29 : vector<1xf32> to vector<1x1x1xf32>
    %reduce_sum3A_31 = vector.extract %reduce_sum3A_30[0, 0, 0] : f32 from vector<1x1x1xf32>
    %eq3A_32 = arith.constant 0 : i32
    %eq3A_33 = arith.cmpi eq, %arg0, %eq3A_32 : i32
    %convert_element_type3A = arith.extui %eq3A_33 : i1 to i32
    %cond3A = arith.constant 0 : i32
    %cond3A_34 = arith.cmpi ne, %convert_element_type3A, %cond3A : i32
    scf.if %cond3A_34 {
      %swap3A_40 = arith.constant 0.000000e+00 : f32
      %swap3A_41 = arith.constant 0 : index
      %swap3A_42 = arith.constant 0 : index
      %swap3A_43 = memref.load %arg5[%swap3A_41, %swap3A_42] : memref<1x1xf32, #tpu.memory_space<smem>>
      memref.store %swap3A_40, %arg5[%swap3A_41, %swap3A_42] : memref<1x1xf32, #tpu.memory_space<smem>>
    } else {
    }
    %get3A_35 = arith.constant 0 : index
    %get3A_36 = arith.constant 0 : index
    %get3A_37 = memref.load %arg5[%get3A_35, %get3A_36] : memref<1x1xf32, #tpu.memory_space<smem>>
    %add3A = arith.addf %get3A_37, %reduce_sum3A_31 : f32
    %swap3A = arith.constant 0 : index
    %swap3A_38 = arith.constant 0 : index
    %swap3A_39 = memref.load %arg5[%swap3A, %swap3A_38] : memref<1x1xf32, #tpu.memory_space<smem>>
    memref.store %add3A, %arg5[%swap3A, %swap3A_38] : memref<1x1xf32, #tpu.memory_space<smem>>
    return
  }
  func.func @transform_0(%arg0: i32) -> (i32, i32) {
    %c0_i32 = arith.constant 0 : i32
    %c0_i32_0 = arith.constant 0 : i32
    return %arg0, %c0_i32 : i32, i32
  }
  func.func @transform_1(%arg0: i32) -> (i32, i32) {
    %c0_i32 = arith.constant 0 : i32
    %c0_i32_0 = arith.constant 0 : i32
    return %arg0, %c0_i32 : i32, i32
  }
  func.func @transform_2(%arg0: i32) -> (i32, i32) {
    %mul3A = arith.constant 128 : i32
    %mul3A_0 = arith.muli %arg0, %mul3A : i32
    %sub3A = arith.constant 1 : i32
    %sub3A_1 = arith.subi %mul3A_0, %sub3A : i32
    %max3A = arith.constant 0 : i32
    %max3A_2 = arith.maxsi %sub3A_1, %max3A : i32
    %c0_i32 = arith.constant 0 : i32
    %c0_i32_3 = arith.constant 0 : i32
    return %max3A_2, %c0_i32 : i32, i32
  }
  func.func @transform_3(%arg0: i32) -> (i32, i32) {
    %mul3A = arith.constant 128 : i32
    %mul3A_0 = arith.muli %arg0, %mul3A : i32
    %sub3A = arith.constant 1 : i32
    %sub3A_1 = arith.subi %mul3A_0, %sub3A : i32
    %max3A = arith.constant 0 : i32
    %max3A_2 = arith.maxsi %sub3A_1, %max3A : i32
    %c0_i32 = arith.constant 0 : i32
    %c0_i32_3 = arith.constant 0 : i32
    return %max3A_2, %c0_i32 : i32, i32
  }
  func.func @transform_4(%arg0: i32) -> (i32, i32) {
    %c0_i32 = arith.constant 0 : i32
    %c0_i32_0 = arith.constant 0 : i32
    %c0_i32_1 = arith.constant 0 : i32
    return %c0_i32, %c0_i32_0 : i32, i32
  }
}

</mosaic_0001>

<sc_bundles>
// kernel: kernel.4.cloned.1.call-start
scs
__scs_entry_jumppad:
0x0: {  	(pc) =	sbr.rel $0x88, $3  }
0x1: {  	(tag) =	ssettag $0x0;
	lr =	simm.s32 $0x1  }
0x2: {  	[smem:$0x3F9F] =	sst lr;
	_ =	strace $0xD0000000  }
0x3: {  	_ = 	snop  }
0x4: {  	_ = 	snop  }
0x5: {  	_ = 	snop  }
0x6: {  	_ = 	snop  }
0x7: {  	_ = 	snop  }
__scs_overlays_trampoline_lowered:
0x8: {  	[smem:$0x3FAE] =	sst s0  }
0x9: {  	[smem:$0x3FAF] =	sst s1  }
0xa: {  	[smem:$0x3FB0] =	sst s2  }
0xb: {  	[smem:$0x3FB1] =	sst s3  }
0xc: {  	[smem:$0x3FB2] =	sst s4  }
0xd: {  	[smem:$0x3FB3] =	sst s5  }
0xe: {  	[smem:$0x3FB4] =	sst s6  }
0xf: {  	[smem:$0x3FB5] =	sst s7  }
0x10: {  	[smem:$0x3FB6] =	sst s8  }
0x11: {  	[smem:$0x3FB7] =	sst s9;
	s0 =	simm.s32 @!p0 $0x0  }
0x12: {  	s1 =	sld [smem:$0x3F9D];
	s0 =	simm.s32 @p0 $0x1  }
0x13: {  	[smem:$0x3FB8] =	sst s0;
	s0 =	simm.s32 @!p1 $0x0  }
0x14: {  	s2 =	sld [smem:$0x3F9C];
	s0 =	simm.s32 @p1 $0x1  }
0x15: {  	[smem:$0x3FB9] =	sst s0;
	s0 =	simm.s32 @!p2 $0x0  }
0x16: {  	s3 =	sld [smem:$0x3FDB];
	s0 =	simm.s32 @p2 $0x1  }
0x17: {  	s4 =	simm.s32 $0x1BF5;
	[smem:$0x3FBB] =	sst s0  }
0x18: {  	s0 =	sld [smem:$0x3F9E];
	_ =	swait.ge [sflag:s4], $0x0  }
0x19: {  	s7 =	sld [smem:$0x3F9F]  }
0x1a: {  	s8 =	sadd.s32 $0xFFFFE003, lr  }
0x1b: {  	s9 =	sadd.s32 $0xFFFFFEF7, lr;
	s5 =	simm.s32 $0xFFFFFFFF;
	p2 =	slt.u32 s8, $0xFFFFF086  }
0x1c: {  	p1 =	slt.u32 s9, $0xF7A;
	s5 =	simm.s32 @!p2 $0x0  }
0x1d: {  	s5 =	simm.s32 @p1 $0x1;
	p0 =	seq.s32 s7, s2  }
0x1e: {  	s7 =	smul.u32 @!p0 $0xF7A, s2;
	p2 =	seq.s32 @!p0 s5, $0x0  }
0x1f: {  	s9 =	smul.u32 $0xF7A, s1;
	s8 =	simm.s32 @!p0 $0x1BF5;
	p2 =	por !p2, p0  }
0x20: {  	[sflag:s8] =	ssyncset.s32 @!p0 $0xFFFFF086;
	s6 =	sadd.s32 @!p0 s3, s7;
	s7 =	simm.s32 @!p0 $0x108  }
0x21: {  	s3 =	sadd.s32 s3, s9;
	s6 =	sadd.s32 @!p0 $0x88, s6;
	s7 =	simm.s32 @p2 $0x1082  }
0x22: {  	[simem:s7], [sflag:s8] =	dma.local @!p0 [hbm:s6], $0xF7A  }
0x23: {  	s9 =	sor.u32 $0xD0000000, s2;
	s6 =	simm.s32 $0x108;
	_ =	swait.ge @!p0 [sflag:s8], $0x0  }
0x24: {  	s3 =	sadd.s32 $0x88, s3;
	s6 =	simm.s32 @!p1 $0x1082;
	[sflag:s4] =	ssyncset.s32 $0xFFFFF086  }
0x25: {  	[simem:s6], [sflag:s4] =	dma.local [hbm:s3], $0xF7A  }
0x26: {  	[smem:$0x3F9F] =	sst s1;
	(tag) =	ssettag s2;
	_ =	strace s9  }
0x27: {  	s1 =	sld [smem:$0x3FAF]  }
0x28: {  	s2 =	sld [smem:$0x3FB0]  }
0x29: {  	s4 =	sld [smem:$0x3FB2]  }
0x2a: {  	p0 =	seq.s32 s5, $0x0;
	s5 =	sld [smem:$0x3FB3]  }
0x2b: {  	s6 =	sld [smem:$0x3FB4]  }
0x2c: {  	s7 =	sld [smem:$0x3FB5]  }
0x2d: {  	s3 =	simm.s32 $0x108;
	s8 =	sld [smem:$0x3FB6]  }
0x2e: {  	s3 =	simm.s32 @!p0 $0x1082;
	s9 =	sld [smem:$0x3FB7]  }
0x2f: {  	lr =	sadd.s32 s0, s3;
	s0 =	sld [smem:$0x3FAE]  }
0x30: {  	s3 =	sld [smem:$0x3FB1]  }
0x31: {  	[smem:$0x3FBA] =	sst s10  }
0x32: {  	s10 =	sld [smem:$0x3FB8];
	_ =	sdelay $0x3  }
0x33: {  	p0 =	seq.s32 s10, $0x1;
	s10 =	sld [smem:$0x3FBA];
	_ =	sdelay $0x3  }
0x34: {  	[smem:$0x3FBA] =	sst s10  }
0x35: {  	s10 =	sld [smem:$0x3FB9];
	_ =	sdelay $0x3  }
0x36: {  	p1 =	seq.s32 s10, $0x1;
	s10 =	sld [smem:$0x3FBA];
	_ =	sdelay $0x3  }
0x37: {  	[smem:$0x3FBA] =	sst s10  }
0x38: {  	s10 =	sld [smem:$0x3FBB]  }
0x39: {  	_ = 	snop;
	(pc) =	sbr.ind lr, $3  }
0x3a: {  	_ = 	snop  }
0x3b: {  	_ = 	snop  }
0x3c: {  	p2 =	seq.s32 s10, $0x1;
	s10 =	sld [smem:$0x3FBA]  }
0x3d: {  	_ =	shalt  }
0x3e: {  	_ =	shalt  }
0x3f: {  	_ =	shalt  }
0x40: {  	_ =	shalt  }
0x41: {  	_ =	shalt  }
0x42: {  	_ =	shalt  }
0x43: {  	_ =	shalt  }
0x44: {  	_ =	shalt  }
0x45: {  	_ =	shalt  }
0x46: {  	_ =	shalt  }
0x47: {  	_ =	shalt  }
0x48: {  	_ =	shalt  }
0x49: {  	_ =	shalt  }
0x4a: {  	_ =	shalt  }
0x4b: {  	_ =	shalt  }
0x4c: {  	_ =	shalt  }
0x4d: {  	_ =	shalt  }
0x4e: {  	_ =	shalt  }
0x4f: {  	_ =	shalt  }
0x50: {  	_ =	shalt  }
0x51: {  	_ =	shalt  }
0x52: {  	_ =	shalt  }
0x53: {  	_ =	shalt  }
0x54: {  	_ =	shalt  }
0x55: {  	_ =	shalt  }
0x56: {  	_ =	shalt  }
0x57: {  	_ =	shalt  }
0x58: {  	_ =	shalt  }
0x59: {  	_ =	shalt  }
0x5a: {  	_ =	shalt  }
0x5b: {  	_ =	shalt  }
0x5c: {  	_ =	shalt  }
0x5d: {  	_ =	shalt  }
0x5e: {  	_ =	shalt  }
0x5f: {  	_ =	shalt  }
0x60: {  	_ =	shalt  }
0x61: {  	_ =	shalt  }
0x62: {  	_ =	shalt  }
0x63: {  	_ =	shalt  }
0x64: {  	_ =	shalt  }
0x65: {  	_ =	shalt  }
0x66: {  	_ =	shalt  }
0x67: {  	_ =	shalt  }
0x68: {  	_ =	shalt  }
0x69: {  	_ =	shalt  }
0x6a: {  	_ =	shalt  }
0x6b: {  	_ =	shalt  }
0x6c: {  	_ =	shalt  }
0x6d: {  	_ =	shalt  }
0x6e: {  	_ =	shalt  }
0x6f: {  	_ =	shalt  }
0x70: {  	_ =	shalt  }
0x71: {  	_ =	shalt  }
0x72: {  	_ =	shalt  }
0x73: {  	_ =	shalt  }
0x74: {  	_ =	shalt  }
0x75: {  	_ =	shalt  }
0x76: {  	_ =	shalt  }
0x77: {  	_ =	shalt  }
0x78: {  	_ =	shalt  }
0x79: {  	_ =	shalt  }
0x7a: {  	_ =	shalt  }
0x7b: {  	_ =	shalt  }
0x7c: {  	_ =	shalt  }
0x7d: {  	_ =	shalt  }
0x7e: {  	_ =	shalt  }
0x7f: {  	_ =	shalt  }
0x80: {  	_ =	shalt  }
0x81: {  	_ =	shalt  }
0x82: {  	_ =	shalt  }
0x83: {  	_ =	shalt  }
0x84: {  	_ =	shalt  }
0x85: {  	_ =	shalt  }
0x86: {  	_ =	shalt  }
0x87: {  	_ =	shalt  }
.Lfunc_end0:
.L_simem_size_0:
called_computation_lowered:
.L_overlay_start_0:
0x88: {  	s2 =	sld [smem:$0x3FD9]  }
0x89: {  	s3 =	sld [smem:$0x3FFE];
	_ =	sdelay $0x1  }
0x8a: {  	s1 =	srdreg.scid  }
0x8b: {  	s0 =	sand.u32 $0x1, s1  }
0x8c: {  	s17 =	sshll.u32 s0, $0xA;
	s2 =	sadd.s32 s3, s2  }
0x8d: {  	s2 =	sadd.s32 s2, s17  }
0x8e: {  	[smem:$0x3FC6] =	sst s2  }
0x8f: {  	_ = 	snop  }
0x90: {  	s2 =	sld [smem:$0x3FC9]  }
0x91: {  	s18 =	sld [smem:$0x3FC8];
	(tm) =	ssettm $0x1  }
0x92: {  	s4 =	sld [smem:$0x3FFB];
	_ =	sdelay $0x3  }
0x93: {  	_ =	strace s4  }
0x94: {  	s4 =	sld [smem:$0x3FFC];
	_ =	sdelay $0x3  }
0x95: {  	_ =	strace s4  }
0x96: {  	s4 =	sld [smem:$0x3FFD];
	_ =	sdelay $0x3  }
0x97: {  	_ =	strace s4  }
0x98: {  	_ =	strace $0x8FFFFFFF  }
0x99: {  	s19 =	sld [smem:$0x3FDB];
	_ =	sdelay $0x1  }
0x9a: {  	s5 =	simm.s32 $_scs_section_size  }
0x9b: {  	s6 =	simm.s32 $_size__tile_overlayer_lowered;
	s7 =	simm.s32 $_tile_overlayer_lowered  }
0x9c: {  	s22 =	simm.s32 $0x1BFF;
	s21 =	sshll.u32 s7, $0x1;
	s4 =	sadd.s32 s5, s19  }
0x9d: {  	s8 =	simm.s32 $0x0;
	s20 =	sshll.u32 s6, $0x1;
	s6 =	sadd.s32 s21, s4  }
0x9e: {  	[timem:s8], [sflag:s22] =	dma.local [hbm:s6], s20  }
0x9f: {  	_ =	swait.ge [sflag:s22], s20  }
0xa0: {  	s5 =	ssub.s32 $0x0, s20;
	[sflag:s22] =	ssyncset.done $0x0  }
0xa1: {  	[sflag:s22] =	ssyncadd.s32 s5;
	_ =	sdelay $0x1  }
0xa2: {  	s23 =	simm.s32 $0x1B8B  }
0xa3: {  	_ =	swait.ge [sflag:s23], $0x1  }
0xa4: {  	[sflag:s23] =	ssyncset.done $0x0  }
0xa5: {  	s25 =	simm.s32 $0x1B8E;
	s24 =	sld [smem:$0x3FFE];
	[sflag:s23] =	ssyncadd.s32 $0xFFFFFFFF  }
0xa6: {  	s26 =	simm.s32 $execute0_lowered;
	[smem:$0x3FD2] =	sst s25  }
0xa7: {  	s6 =	sshll.u32 s26, $0x1;
	_ =	strace $0x80000046;
	[dreg:$0x1] =	wrdreg $0xFFFFFFFF  }
0xa8: {  	s28 =	simm.s32 $_size_execute0_lowered;
	s4 =	sadd.s32 s4, s6;
	[dreg:$0x0] =	wrdreg $0x0  }
0xa9: {  	s6 =	sshll.u32 s28, $0x1;
	[dreg:$0x2] =	wrdreg s4  }
0xaa: {  	[dreg:$0x3] =	wrdreg s6  }
0xab: {  	[dreg:$0x4] =	wrdreg $0xC0  }
0xac: {  	_ =	task [dreg:s8], $0x5FFFF  }
0xad: {  	[dreg:$0x1] =	wrdreg $0xFFFFFFFF  }
0xae: {  	[dreg:$0x0] =	wrdreg $0x60  }
0xaf: {  	[dreg:$0x2] =	wrdreg s2  }
0xb0: {  	[dreg:$0x3] =	wrdreg s18  }
0xb1: {  	[dreg:$0x4] =	wrdreg s24  }
0xb2: {  	[dreg:$0x5] =	wrdreg $0x9  }
0xb3: {  	_ =	task.clear_ibuf [dreg:s8], $0x6FFFF;
	_ =	strace $0x90000046  }
0xb4: {  	s29 =	simm.s32 $0x9;
	_ =	strace $0x80000048  }
0xb5: {  	_ =	swait.ge [sflag:s29], $0x1  }
0xb6: {  	[sflag:s29] =	ssyncadd.s32 $0xFFFFFFFF  }
0xb7: {  	_ =	strace $0x90000048  }
0xb8: {  	_ =	sfence  }
0xb9: {  	s30 =	sld [smem:$0x0];
	_ =	sdelay $0x2  }
0xba: {  	s31 =	sshll.u32 s1, $0xD;
	s1 =	sshrl.u32 s1, $0x2  }
0xbb: {  	s3 =	sand.u32 $0x4000, s31;
	s1 =	sadd.s32 s1, s30  }
0xbc: {  	s0 =	sor.u32 s3, s0;
	s1 =	sshll.u32 s1, $0x11  }
0xbd: {  	s0 =	sor.u32 s1, s0  }
0xbe: {  	s0 =	sadd.s32 $0x8F2B, s0  }
0xbf: {  	[sflag:s0] =	ssyncadd.remote.s32 $0x1  }
0xc0: {  	_ =	sfence.sel $0xFFFF  }
0xc1: {  	[dreg:$0x0] =	wrdreg $0xFFFFFFFF;
	(pc) =	sbr.abs _section_cstart, $3  }
0xc2: {  	[dreg:$0x1] =	wrdreg $0xFFFFFFFF  }
0xc3: {  	_ =	task.clear_ibuf [dreg:s8], $0x2FFFF;
	_ =	strace $0x9FFFFFFF  }
0xc4: {  	(tm) =	ssettm $0x7FFFFFFF  }
0xc5: {  	_ =	shalt  }
tec
execute0_lowered:
.L_overlay_start_1:
0x0: {  	(tag) =	ssettag $0x1  }
0x1: {  	s7 =	rddreg [dreg:$0x0]  }
0x2: {  	s8 =	rddreg [dreg:$0x1]  }
0x3: {  	s3 =	rddreg [dreg:$0x2]  }
0x4: {  	s0 =	rddreg [dreg:$0x3];
	s2 =	simm.s32 $0x0;
	s4 =	srdreg.scid  }
0x5: {  	s1 =	stileid.u32;
	s12 =	simm.s32 $0x10;
	s13 =	simm.s32 $0x4090  }
0x6: {  	s14 =	simm.s32 $0x1;
	s15 =	simm.s32 $0x2010;
	s16 =	simm.s32 $0x6090  }
0x7: {  	s17 =	simm.s32 $0x2;
	s18 =	simm.s32 $0x8100;
	s19 =	simm.s32 $0x3  }
0x8: {  	v0 =	vimm.s32 $0xEDCBA987;
	v1 =	vimm.s32 $0x6543210F;
	[smem:$0x7FF] =	sst s2;
	s4 =	sand.u32 $0x1, s4;
	s5 =	sshll.u32 s1, $0x1  }
0x9: {  	s20 =	simm.s32 $0x0;
	v0 =	vunpack.c.l.s4.s8 v0;
	v1 =	vunpack.c.l.s4.s8 v1;
	_ =	strace $0x80000047;
	s5 =	sor.u32 s4, s5  }
0xa: {  	s4 =	ssub.s32 $0x2, s4;
	s6 =	sshll.u32 s5, $0x4;
	s9 =	sshll.u32 s5, $0xB  }
0xb: {  	s30 =	sshrl.u32 s4, $0x1;
	v0 =	vunpack.c.0.s8.s32 v0;
	v1 =	vunpack.c.0.s8.s32 v1;
	s10 =	sadd.s32 s6, s3;
	s5 =	sadd.s32 $0xFFFE, s9  }
0xc: {  	s11 =	ssub.s32 s4, s30;
	s31 =	sor.u32 $0x10000, s9;
	s9 =	sor.u32 $0x10400, s9  }
0xd: {  	s3 =	sadd.s32 s7, s5;
	s4 =	sadd.s32 s8, s5;
	s5 =	sadd.s32 s7, s31;
	v0 =	vcombine.low v1, v0  }
0xe: {  	s6 =	sadd.s32 s8, s31;
	s7 =	sadd.s32 s7, s9;
	s8 =	sadd.s32 s8, s9  }
0xf: {  	vm0 =	vmmov $0x7fff;
	s9 =	sadd.s32 $0x400, s10;
	s10 =	smax.u32 s11, $0x1;
	s11 =	simm.s32 $0x4080;
	v0 =	vand.u32 $0xF, v0  }
.LBB2_1:
0x10: {  	[tilespmem:s2], [sflag:$0x1] =	stream.linear.gather [hbm4b:s3+s2], $0x10, $0x38;
	[tilespmem:$0x8180] =	vst v63  }
0x11: {  	_ = 	snop  }
0x12: {  	[tilespmem:s11], [sflag:$0x1] =	stream.linear.gather [hbm4b:s4+s2], $0x10, $0x38;
	[tilespmem:$0x8180] =	vst v63  }
0x13: {  	_ = 	snop  }
0x14: {  	[tilespmem:s12], [sflag:$0x1] =	stream.linear.gather [hbm4b:s5+s2], $0x2000, $0x38;
	[tilespmem:$0x8180] =	vst v63  }
0x15: {  	_ = 	snop  }
0x16: {  	[tilespmem:s13], [sflag:$0x1] =	stream.linear.gather [hbm4b:s6+s2], $0x2000, $0x38;
	[tilespmem:$0x8180] =	vst v63  }
0x17: {  	_ =	swait.ge [sflag:s14], $0x10  }
0x18: {  	[sflag:s14] =	ssyncset.done $0x0  }
0x19: {  	[sflag:s14] =	ssyncadd.s32 $0xFFFFFFF0  }
0x1a: {  	_ =	swait.ge [sflag:s14], $0x10  }
0x1b: {  	[sflag:s14] =	ssyncset.done $0x0  }
0x1c: {  	[sflag:s14] =	ssyncadd.s32 $0xFFFFFFF0  }
0x1d: {  	_ =	swait.ge [sflag:s14], $0x2000  }
0x1e: {  	[sflag:s14] =	ssyncset.done $0x0  }
0x1f: {  	[sflag:s14] =	ssyncadd.s32 $0xFFFFE000  }
0x20: {  	_ =	swait.ge [sflag:s14], $0x2000  }
0x21: {  	[sflag:s14] =	ssyncset.done $0x0  }
0x22: {  	[sflag:s14] =	ssyncadd.s32 $0xFFFFE000  }
0x23: {  	v2 =	vld [tilespmem:$0x4080];
	[tilespmem:s15], [sflag:$0x2] =	stream.linear.gather [hbm4b:s7+s2], $0x2000, $0x38  }
0x24: {  	s21 =	simm.s32 $0x40  }
0x25: {  	[tilespmem:s16], [sflag:$0x2] =	stream.linear.gather [hbm4b:s8+s2], $0x2000, $0x38;
	[tilespmem:$0x8180] =	vst v63  }
0x26: {  	v3 =	vld [tilespmem:s21+$0xFFFFFFF0]  }
0x27: {  	v4 =	vld [tilespmem:s21+$0xFFFFFFDF]  }
0x28: {  	v5 =	vld [tilespmem:s21+$0x3F]  }
0x29: {  	v6 =	vld [tilespmem:s21+$0x40]  }
0x2a: {  	s22 =	simm.s32 $0x40C0;
	v7 =	vld [tilespmem:s21+$0xFFFFFFCF]  }
0x2b: {  	v8 =	vld [tilespmem:s22+$0xFFFFFFE0]  }
0x2c: {  	v10 =	vld [tilespmem:s22+$0x40]  }
0x2d: {  	v9 =	vld [tilespmem:s21+$0xFFFFFFD0]  }
0x2e: {  	v11 =	vld [tilespmem:s21+$0xFFFFFFE0]  }
0x2f: {  	v12 =	vld [tilespmem:s22+$0xFFFFFFD0]  }
0x30: {  	v13 =	vld [tilespmem:s21+$0x0]  }
0x31: {  	v15 =	vld [tilespmem:s21+$0xFFFFFFEF]  }
0x32: {  	v16 =	vld [tilespmem:s22+$0x0]  }
0x33: {  	v17 =	vld [tilespmem:s22+$0x30]  }
0x34: {  	v18 =	vld [tilespmem:s22+$0x10]  }
0x35: {  	v20 =	vld [tilespmem:s22+$0xFFFFFFF0]  }
0x36: {  	v21 =	vld [tilespmem:s22+$0x20]  }
0x37: {  	v1 =	vimm.f32 $0.0e+00;
	v19 =	vsub.f32 v12, v9  }
0x38: {  	v29 =	vld [tilespmem:s21+$0xFFFFFFFF];
	vm5 =	vgt.f32 v9, v7;
	vm3 =	vgt.f32 v6, v5;
	v2 =	vsel vm0, v12, v2  }
0x39: {  	v14 =	vld [tilespmem:s21+$0x30];
	v5 =	vsub.f32 v10, v6;
	v7 =	vsel vm0, v8, v12;
	vm4 =	vgt.f32 v11, v4  }
0x3a: {  	v9 =	vld [tilespmem:s21+$0x1F];
	vm2 =	vgt.f32 v3, v15;
	v23 =	vsub.f32 v16, v13;
	v24 =	vsel vm0, v18, v16  }
0x3b: {  	v4 =	vld [tilespmem:s21+$0x20];
	v3 =	vsub.f32 v20, v3;
	v26 =	vsel vm0, v17, v21;
	v28 =	vsel vm0, v16, v20  }
0x3c: {  	v25 =	vld [tilespmem:s21+$0x10];
	v30 =	vsel vm0, v20, v8;
	v11 =	vsub.f32 v8, v11;
	v2 =	vperm.xlane v2, v0  }
0x3d: {  	v15 =	vld [tilespmem:s21+$0xF];
	vm9 =	vgt.f32 v13, v29;
	v6 =	vmul.f32 v19, v19;
	v5 =	vmul.f32 v5, v5  }
0x3e: {  	s30 =	simm.s32 $0xC0;
	v19 =	vsub.f32 v17, v14;
	v32 =	vmul.f32 v3, v3;
	vm6 =	vgt.f32 v12, v2  }
0x3f: {  	v31 =	vld [tilespmem:s30+$0xFFFFFFF0];
	v2 =	vsel vm0, v21, v18;
	v12 =	vperm.xlane v28, v0;
	v22 =	vmul.f32 $1.000000000e+04, v6  }
0x40: {  	v33 =	vld [tilespmem:s30+$0xFFFFFFDF];
	v27 =	vmul.f32 $1.000000000e+04, v5;
	vm6 =	vmxor vm5, vm6;
	vm1 =	vgt.f32 v4, v9  }
0x41: {  	v35 =	vld [tilespmem:s30+$0x40];
	v9 =	vsel vm0, v10, v17;
	v3 =	vsub.f32 v21, v4;
	v4 =	vperm.xlane v30, v0  }
0x42: {  	v29 =	vld [tilespmem:s30+$0x1F];
	vm5 =	vgt.f32 v25, v15;
	v15 =	vmul.f32 v19, v19;
	v30 =	vmul.f32 $1.000000000e+04, v32  }
0x43: {  	v28 =	vld [tilespmem:s21+$0x2F];
	vm8 =	vgt.f32 v16, v12;
	v12 =	vperm.xlane v26, v0;
	v9 =	vperm.xlane v9, v0  }
0x44: {  	s31 =	simm.s32 $0x4140;
	v19 =	vld [tilespmem:s30+$0x3F];
	v22 =	vsel vm6, v22, v6;
	v6 =	vmul.f32 v23, v23;
	vm8 =	vmxor vm9, vm8  }
0x45: {  	v26 =	vld [tilespmem:s31+$0xFFFFFFD0];
	v34 =	vmul.f32 v3, v3;
	v3 =	vperm.xlane v7, v0;
	vm7 =	vgt.f32 v20, v4  }
0x46: {  	v23 =	vld [tilespmem:s30+$0xFFFFFFCF];
	v20 =	vperm.xlane v2, v0;
	v7 =	vperm.xlane v24, v0;
	vm15 =	vgt.f32 v17, v12  }
0x47: {  	v4 =	vld [tilespmem:s31+$0xFFFFFFE0];
	vm6 =	vgt.f32 v10, v9;
	v13 =	vmul.f32 $1.000000000e+04, v6;
	vm2 =	vmxor vm2, vm7  }
0x48: {  	v2 =	vld [tilespmem:s31+$0x40];
	vm3 =	vmxor vm3, vm6;
	vm6 =	vgt.f32 v8, v3;
	v8 =	vmul.f32 v11, v11  }
0x49: {  	v9 =	vld [tilespmem:s30+$0xFFFFFFE0];
	vm10 =	vgt.f32 v18, v7;
	v12 =	vmul.f32 $1.000000000e+04, v34;
	v24 =	vsel vm2, v30, v32  }
0x4a: {  	v11 =	vld [tilespmem:s30+$0xFFFFFFD0];
	vm4 =	vmxor vm4, vm6;
	v16 =	vsel vm3, v27, v5;
	vm6 =	vmxor vm5, vm10  }
0x4b: {  	v3 =	vld [tilespmem:s31+$0x20];
	vm3 =	vgt.f32 v14, v28;
	v5 =	vmul.f32 $1.000000000e+04, v15;
	v13 =	vsel vm8, v13, v6  }
0x4c: {  	v30 =	vld [tilespmem:s30+$0x20];
	v6 =	vsub.f32 v18, v25;
	v14 =	vmul.f32 $1.000000000e+04, v8;
	vm3 =	vmxor vm3, vm15  }
0x4d: {  	v18 =	vld [tilespmem:s30+$0xFFFFFFEF];
	v62 =	vadd.f32 v13, v24;
	v15 =	vsel vm3, v5, v15;
	vm3 =	vgt.f32 v35, v19  }
0x4e: {  	v5 =	vld [tilespmem:s30+$0x30];
	v19 =	vsel vm0, v26, v10;
	v17 =	vsel vm0, v4, v26;
	v14 =	vsel vm4, v14, v8  }
0x4f: {  	v10 =	vld [tilespmem:s31+$0x30];
	vm4 =	vgt.f32 v21, v20;
	v21 =	vsub.f32 v2, v35;
	v8 =	vadd.f32 v16, v15  }
0x50: {  	v16 =	vperm.xlane v19, v0;
	v19 =	vld [tilespmem:s31+$0xFFFFFFF0];
	vm5 =	vgt.f32 v11, v23;
	v23 =	vmul.f32 v6, v6  }
0x51: {  	v7 =	vld [tilespmem:s30+$0x0];
	v6 =	vsub.f32 v26, v11;
	vm2 =	vmxor vm1, vm4;
	vm4 =	vgt.f32 v9, v33  }
0x52: {  	v11 =	vld [tilespmem:s31+$0x0];
	v63 =	vadd.f32 v14, v22;
	vm1 =	vgt.f32 v31, v18;
	v13 =	vmul.f32 v21, v21  }
0x53: {  	v12 =	vsel vm2, v12, v34;
	v20 =	vmul.f32 v6, v6;
	v6 =	vld [tilespmem:s31+$0x10];
	v15 =	vmul.f32 $1.000000000e+04, v23  }
0x54: {  	vm2 =	vgt.f32 v30, v29;
	v28 =	vsub.f32 v10, v5;
	v18 =	vmul.f32 $1.000000000e+04, v13  }
0x55: {  	v14 =	vld [tilespmem:s30+$0x10];
	v15 =	vsel vm6, v15, v23;
	v25 =	vmul.f32 $1.000000000e+04, v20;
	v32 =	vsub.f32 v19, v31  }
0x56: {  	v23 =	vsel vm0, v10, v3;
	vm6 =	vgt.f32 v26, v16;
	v15 =	vadd.f32 v12, v15;
	v12 =	vld [tilespmem:s30+$0xF]  }
0x57: {  	v24 =	vsub.f32 v11, v7;
	v16 =	vsel vm0, v11, v19;
	vm5 =	vmxor vm5, vm6  }
0x58: {  	v21 =	vld [tilespmem:s30+$0x2F];
	v26 =	vperm.xlane v16, v0;
	v16 =	vsel vm0, v2, v10;
	v22 =	vsel vm0, v6, v11  }
0x59: {  	s23 =	simm.s32 $0x41C0;
	s22 =	simm.s32 $0x140;
	s21 =	simm.s32 $0x8;
	v29 =	vld [tilespmem:s30+$0xFFFFFFFF];
	v27 =	vsel vm0, v3, v6;
	v31 =	vperm.xlane v16, v0;
	v16 =	vadd.f32 v62, v63  }
.LBB2_2:
0x5a: {  	v33 =	vld [tilespmem:s22+$0xFFFFFFF0];
	s21 =	sadd.s32 $0x8, s21;
	v34 =	vsel vm0, v19, v4;
	v32 =	vmul.f32 v32, v32;
	v30 =	vsub.f32 v3, v30;
	v35 =	vmovc v2  }
0x5b: {  	v28 =	vmul.f32 v28, v28;
	v36 =	vld [tilespmem:s22+$0xFFFFFFDF];
	p0 =	slt.u32 s21, $0x1F8;
	v34 =	vperm.xlane v34, v0;
	vm6 =	vgt.f32 v14, v12  }
0x5c: {  	v9 =	vsub.f32 v4, v9;
	v37 =	vld [tilespmem:s22+$0x3F];
	v38 =	vmul.f32 $1.000000000e+04, v32;
	v39 =	vmul.f32 v30, v30  }
0x5d: {  	v25 =	vsel vm5, v25, v20;
	v20 =	vmul.f32 v24, v24;
	vm5 =	vgt.f32 v2, v31;
	v30 =	vld [tilespmem:s22+$0x40]  }
0x5e: {  	v17 =	vperm.xlane v17, v0;
	vm7 =	vgt.f32 v19, v34;
	v19 =	vperm.xlane v27, v0;
	v24 =	vld [tilespmem:s22+$0xFFFFFFCF]  }
0x5f: {  	vm8 =	vgt.f32 v11, v26;
	v11 =	vperm.xlane v22, v0;
	v22 =	vperm.xlane v23, v0;
	v12 =	vld [tilespmem:s22+$0xF]  }
0x60: {  	v26 =	vmul.f32 $1.000000000e+04, v20;
	vm3 =	vmxor vm3, vm5;
	vm9 =	vgt.f32 v7, v29;
	v23 =	vld [tilespmem:s23+$0xFFFFFFE0]  }
0x61: {  	vm5 =	vgt.f32 v4, v17;
	v17 =	vmul.f32 v9, v9;
	vm10 =	vgt.f32 v6, v11;
	v2 =	vld [tilespmem:s23+$0x40]  }
0x62: {  	vm4 =	vmxor vm4, vm5;
	vm5 =	vmxor vm9, vm8;
	vm8 =	vgt.f32 v10, v22;
	v11 =	vld [tilespmem:s22+$0xFFFFFFD0]  }
0x63: {  	v13 =	vsel vm3, v18, v13;
	v7 =	vadd.f32 v8, v15;
	v22 =	vmul.f32 $1.000000000e+04, v39;
	v9 =	vld [tilespmem:s22+$0xFFFFFFE0]  }
0x64: {  	vm6 =	vmxor vm6, vm10;
	vm3 =	vgt.f32 v5, v21;
	v5 =	vmul.f32 $1.000000000e+04, v28;
	v27 =	vld [tilespmem:s23+$0xFFFFFFD0]  }
0x65: {  	v8 =	vmul.f32 $1.000000000e+04, v17;
	vm3 =	vmxor vm3, vm8;
	v10 =	vadd.f32 v7, v16;
	v15 =	vld [tilespmem:s23+$0x20];
	v4 =	vmovc v23  }
0x66: {  	v6 =	vsub.f32 v6, v14;
	v16 =	vsel vm5, v26, v20;
	v14 =	vsel vm3, v5, v28;
	v7 =	vld [tilespmem:s22+$0x0]  }
0x67: {  	vm1 =	vmxor vm1, vm7;
	v1 =	vadd.f32 v10, v1;
	vm5 =	vgt.f32 v11, v24;
	v5 =	vld [tilespmem:s22+$0x30]  }
0x68: {  	v21 =	vsel vm4, v8, v17;
	vm3 =	vgt.f32 v30, v37;
	v23 =	vmul.f32 v6, v6;
	v18 =	vld [tilespmem:s22+$0xFFFFFFEF]  }
0x69: {  	vm4 =	vgt.f32 v3, v19;
	v24 =	vsel vm0, v27, v35;
	v6 =	vsub.f32 v27, v11;
	v11 =	vld [tilespmem:s23+$0x0]  }
0x6a: {  	v28 =	vsel vm1, v38, v32;
	v8 =	vadd.f32 v13, v14;
	v26 =	vsub.f32 v2, v30;
	v10 =	vld [tilespmem:s23+$0x30];
	v3 =	vmovc v15  }
0x6b: {  	v13 =	vmul.f32 $1.000000000e+04, v23;
	v17 =	vsel vm0, v4, v27;
	v20 =	vmul.f32 v6, v6;
	v6 =	vld [tilespmem:s23+$0x10]  }
0x6c: {  	vm2 =	vmxor vm2, vm4;
	v16 =	vadd.f32 v16, v28;
	v29 =	vperm.xlane v24, v0;
	v19 =	vld [tilespmem:s23+$0xFFFFFFF0]  }
0x6d: {  	v34 =	vadd.f32 v21, v25;
	vm4 =	vgt.f32 v9, v36;
	v14 =	vsel vm6, v13, v23;
	v31 =	vld [tilespmem:s22+$0x1F]  }
0x6e: {  	v13 =	vmul.f32 v26, v26;
	v15 =	vsel vm2, v22, v39;
	vm1 =	vgt.f32 v33, v18;
	v30 =	vld [tilespmem:s22+$0x20]  }
0x6f: {  	v15 =	vadd.f32 v15, v14;
	v28 =	vsub.f32 v10, v5  }
.Ltmp0:
0x70: {  	v25 =	vmul.f32 $1.000000000e+04, v20;
	v24 =	vsub.f32 v11, v7;
	v22 =	vsel vm0, v6, v11;
	(pc) =	sbr.rel @p0 .LBB2_2-.Ltmp0, $4  }
0x71: {  	v18 =	vmul.f32 $1.000000000e+04, v13;
	v23 =	vsel vm0, v10, v3;
	v32 =	vsub.f32 v19, v33;
	v14 =	vld [tilespmem:s22+$0x10]  }
0x72: {  	vm6 =	vgt.f32 v27, v29;
	v27 =	vsel vm0, v3, v6;
	v21 =	vsel vm0, v11, v19  }
0x73: {  	v26 =	vperm.xlane v21, v0;
	vm2 =	vgt.f32 v30, v31;
	v21 =	vld [tilespmem:s22+$0x2F];
	v31 =	vsel vm0, v2, v10  }
0x74: {  	v16 =	vadd.f32 v16, v34;
	s23 =	sadd.s32 $0x80, s23;
	vm5 =	vmxor vm5, vm6;
	v29 =	vld [tilespmem:s22+$0xFFFFFFFF];
	v31 =	vperm.xlane v31, v0;
	s22 =	sadd.s32 $0x80, s22  }
0x75: {  	v33 =	vsel vm0, v19, v4;
	_ =	swait.ge [sflag:s17], $0x2000  }
0x76: {  	v32 =	vmul.f32 v32, v32;
	v30 =	vsub.f32 v3, v30;
	v9 =	vsub.f32 v4, v9;
	[sflag:s17] =	ssyncset.done $0x0  }
0x77: {  	v20 =	vsel vm5, v25, v20;
	v24 =	vmul.f32 v24, v24;
	v17 =	vperm.xlane v17, v0;
	[sflag:s17] =	ssyncadd.s32 $0xFFFFE000  }
0x78: {  	vm8 =	vgt.f32 v11, v26;
	v11 =	vperm.xlane v22, v0;
	v22 =	vperm.xlane v23, v0;
	_ =	swait.ge [sflag:s17], $0x2000  }
0x79: {  	v8 =	vadd.f32 v8, v15;
	v33 =	vperm.xlane v33, v0;
	vm6 =	vgt.f32 v14, v12;
	[sflag:s17] =	ssyncset.done $0x0  }
0x7a: {  	s21 =	simm.s32 $0x2080;
	v12 =	vmul.f32 v28, v28;
	vm7 =	vgt.f32 v2, v31;
	v28 =	vmul.f32 $1.000000000e+04, v32;
	[sflag:s17] =	ssyncadd.s32 $0xFFFFE000  }
0x7b: {  	v30 =	vmul.f32 v30, v30;
	vm3 =	vmxor vm3, vm7;
	vm7 =	vgt.f32 v4, v17;
	v4 =	vld [tilespmem:s21+$0xFFFFFFB0]  }
0x7c: {  	v9 =	vmul.f32 v9, v9;
	vm10 =	vgt.f32 v6, v11;
	vm15 =	vgt.f32 v10, v22;
	v11 =	vld [tilespmem:s21+$0xFFFFFF9F]  }
0x7d: {  	v6 =	vsub.f32 v6, v14;
	v8 =	vadd.f32 v8, v16;
	vm5 =	vgt.f32 v19, v33;
	v17 =	vld [tilespmem:s21+$0xFFFFFFFF]  }
0x7e: {  	v19 =	vperm.xlane v27, v0;
	vm4 =	vmxor vm4, vm7;
	v13 =	vsel vm3, v18, v13;
	v14 =	vld [tilespmem:s21+$0x0]  }
0x7f: {  	s22 =	simm.s32 $0x6100;
	vm3 =	vmxor vm6, vm10;
	vm6 =	vgt.f32 v5, v21;
	v5 =	vmul.f32 $1.000000000e+04, v12;
	v15 =	vld [tilespmem:s21+$0xFFFFFF8F]  }
0x80: {  	vm9 =	vgt.f32 v7, v29;
	v18 =	vmul.f32 $1.000000000e+04, v9;
	vm6 =	vmxor vm6, vm15;
	v21 =	vld [tilespmem:s22+$0xFFFFFFA0]  }
0x81: {  	v7 =	vmul.f32 $1.000000000e+04, v24;
	v10 =	vmul.f32 $1.000000000e+04, v30;
	v5 =	vsel vm6, v5, v12;
	v12 =	vld [tilespmem:s22+$0x0]  }
0x82: {  	v6 =	vmul.f32 v6, v6;
	vm7 =	vmxor vm9, vm8;
	v9 =	vsel vm4, v18, v9;
	v18 =	vld [tilespmem:s21+$0xFFFFFF90]  }
0x83: {  	vm1 =	vmxor vm1, vm5;
	v7 =	vsel vm7, v7, v24;
	v5 =	vadd.f32 v13, v5;
	v13 =	vld [tilespmem:s21+$0xFFFFFFA0]  }
0x84: {  	vm4 =	vgt.f32 v3, v19;
	v3 =	vmul.f32 $1.000000000e+04, v6;
	v19 =	vsel vm1, v28, v32;
	v16 =	vld [tilespmem:s21+$0xFFFFFFF0]  }
0x85: {  	v1 =	vadd.f32 v8, v1;
	v8 =	vld [tilespmem:s22+$0xFFFFFFB0];
	vm1 =	vmxor vm2, vm4;
	v7 =	vadd.f32 v7, v19  }
0x86: {  	v9 =	vadd.f32 v9, v20;
	v3 =	vsel vm3, v3, v6;
	v6 =	vsel vm1, v10, v30;
	v10 =	vld [tilespmem:s22+$0xFFFFFF90]  }
0x87: {  	v3 =	vadd.f32 v6, v3;
	v6 =	vld [tilespmem:s21+$0xFFFFFFC0]  }
0x88: {  	v7 =	vadd.f32 v7, v9;
	v9 =	vld [tilespmem:s22+$0xFFFFFFC0]  }
0x89: {  	v19 =	vld [tilespmem:s22+$0xFFFFFFD0];
	v3 =	vadd.f32 v5, v3  }
0x8a: {  	v29 =	vld [tilespmem:s21+$0xFFFFFFBF];
	vm5 =	vgt.f32 v18, v15;
	vm3 =	vgt.f32 v14, v17;
	v14 =	vsub.f32 v12, v14  }
0x8b: {  	v5 =	vld [tilespmem:s21+$0xFFFFFFAF];
	vm4 =	vgt.f32 v13, v11;
	v31 =	vsel vm0, v8, v21;
	v13 =	vsub.f32 v21, v13  }
0x8c: {  	v20 =	vld [tilespmem:s22+$0xFFFFFFE0];
	v3 =	vadd.f32 v3, v7;
	v2 =	vsel vm0, v10, v2;
	v15 =	vsel vm0, v21, v10  }
0x8d: {  	v25 =	vld [tilespmem:s21+$0xFFFFFFD0];
	v14 =	vmul.f32 v14, v14;
	v2 =	vperm.xlane v2, v0;
	v23 =	vsub.f32 v9, v6  }
0x8e: {  	v11 =	vld [tilespmem:s21+$0xFFFFFFCF];
	v24 =	vsel vm0, v19, v9;
	v28 =	vsel vm0, v9, v8;
	v15 =	vperm.xlane v15, v0  }
0x8f: {  	v7 =	vld [tilespmem:s22+$0xFFFFFFF0];
	vm13 =	vgt.f32 v6, v29;
	v1 =	vadd.f32 v3, v1;
	v3 =	vsub.f32 v10, v18  }
0x90: {  	v17 =	vld [tilespmem:s21+$0xFFFFFFDF];
	v27 =	vmul.f32 $1.000000000e+04, v14;
	vm2 =	vgt.f32 v4, v5;
	v4 =	vsub.f32 v8, v4  }
0x91: {  	s30 =	simm.s32 $0x2100;
	v5 =	vld [tilespmem:s21+$0xFFFFFFE0];
	vm6 =	vgt.f32 v10, v2;
	v2 =	vsel vm0, v20, v19;
	v10 =	vperm.xlane v28, v0  }
0x92: {  	v60 =	vld [tilespmem:s30+$0xFFFFFF9F];
	v23 =	vmul.f32 v23, v23;
	v3 =	vmul.f32 v3, v3;
	vm6 =	vmxor vm5, vm6  }
0x93: {  	v35 =	vld [tilespmem:s30+$0x0];
	vm5 =	vgt.f32 v25, v11;
	v36 =	vperm.xlane v2, v0;
	v2 =	vperm.xlane v24, v0  }
0x94: {  	v30 =	vld [tilespmem:s30+$0xFFFFFFB0];
	v18 =	vsub.f32 v7, v16;
	v26 =	vsel vm0, v7, v20;
	v59 =	vmul.f32 v4, v4  }
0x95: {  	v6 =	vld [tilespmem:s30+$0xFFFFFFC0];
	vm12 =	vgt.f32 v9, v10;
	v9 =	vmul.f32 $1.000000000e+04, v23;
	v10 =	vmul.f32 v13, v13  }
0x96: {  	v28 =	vld [tilespmem:s21+$0xFFFFFFEF];
	v22 =	vmul.f32 $1.000000000e+04, v3;
	v11 =	vmul.f32 v18, v18;
	vm1 =	vgt.f32 v5, v17  }
0x97: {  	v18 =	vld [tilespmem:s30+$0xFFFFFFFF];
	v17 =	vsel vm0, v12, v7;
	v4 =	vsub.f32 v20, v5;
	v5 =	vperm.xlane v31, v0  }
0x98: {  	s31 =	simm.s32 $0x6180;
	v13 =	vld [tilespmem:s30+$0xFFFFFF90];
	vm14 =	vgt.f32 v19, v2;
	v31 =	vmul.f32 $1.000000000e+04, v59;
	v17 =	vperm.xlane v17, v0  }
0x99: {  	v22 =	vsel vm6, v22, v3;
	v3 =	vld [tilespmem:s31+$0xFFFFFFA0];
	vm6 =	vgt.f32 v8, v5;
	v5 =	vperm.xlane v26, v0  }
0x9a: {  	v34 =	vmul.f32 v4, v4;
	v4 =	vld [tilespmem:s31+$0x0];
	vm7 =	vgt.f32 v12, v17;
	vm6 =	vmxor vm2, vm6  }
0x9b: {  	v8 =	vld [tilespmem:s30+$0xFFFFFFA0];
	vm3 =	vmxor vm3, vm7;
	vm7 =	vgt.f32 v21, v15;
	vm15 =	vgt.f32 v7, v5  }
0x9c: {  	v17 =	vld [tilespmem:s30+$0xFFFFFF8F];
	v15 =	vmul.f32 $1.000000000e+04, v34;
	v5 =	vmul.f32 $1.000000000e+04, v11;
	vm2 =	vgt.f32 v35, v18  }
0x9d: {  	v21 =	vld [tilespmem:s31+$0xFFFFFF90];
	vm4 =	vmxor vm4, vm7;
	vm7 =	vmxor vm13, vm12;
	v7 =	vsel vm3, v27, v14  }
0x9e: {  	v18 =	vld [tilespmem:s31+$0xFFFFFFB0];
	vm3 =	vmxor vm5, vm14;
	vm5 =	vgt.f32 v16, v28;
	v14 =	vmul.f32 $1.000000000e+04, v10  }
0x9f: {  	vm5 =	vmxor vm5, vm15;
	v23 =	vsel vm7, v9, v23;
	v9 =	vsub.f32 v19, v25;
	v19 =	vld [tilespmem:s30+$0xFFFFFFAF]  }
0xa0: {  	v25 =	vsel vm6, v31, v59;
	v16 =	vsel vm5, v5, v11;
	v5 =	vld [tilespmem:s30+$0xFFFFFFF0];
	v14 =	vsel vm4, v14, v10  }
0xa1: {  	v11 =	vld [tilespmem:s31+$0xFFFFFFC0];
	vm4 =	vgt.f32 v20, v36;
	v20 =	vsub.f32 v4, v35;
	v61 =	vadd.f32 v23, v25  }
0xa2: {  	v10 =	vld [tilespmem:s31+$0xFFFFFFF0];
	vm5 =	vgt.f32 v13, v17;
	v24 =	vmul.f32 v9, v9;
	v9 =	vadd.f32 v7, v16  }
0xa3: {  	v2 =	vld [tilespmem:s31+$0xFFFFFFE0];
	vm6 =	vmxor vm1, vm4;
	vm4 =	vgt.f32 v8, v60;
	v13 =	vsub.f32 v21, v13  }
0xa4: {  	v62 =	vld [tilespmem:s30+$0xFFFFFFDF];
	v63 =	vadd.f32 v14, v22;
	v12 =	vsel vm0, v21, v12;
	v16 =	vsel vm0, v3, v21  }
0xa5: {  	v7 =	vld [tilespmem:s31+$0xFFFFFFD0];
	v14 =	vsel vm6, v15, v34;
	v17 =	vmul.f32 v13, v13;
	v13 =	vmul.f32 $1.000000000e+04, v24  }
0xa6: {  	v29 =	vld [tilespmem:s30+$0xFFFFFFE0];
	v31 =	vsub.f32 v18, v30;
	v27 =	vperm.xlane v12, v0;
	vm1 =	vgt.f32 v30, v19  }
0xa7: {  	v26 =	vsub.f32 v10, v5;
	v25 =	vsub.f32 v11, v6;
	v12 =	vsel vm3, v13, v24  }
0xa8: {  	v23 =	vsel vm0, v10, v2;
	vm6 =	vgt.f32 v21, v27;
	v15 =	vadd.f32 v14, v12;
	v12 =	vld [tilespmem:s30+$0xFFFFFFCF]  }
0xa9: {  	v19 =	vsel vm0, v11, v18;
	v13 =	vmul.f32 v20, v20;
	v24 =	vmul.f32 $1.000000000e+04, v17;
	v14 =	vld [tilespmem:s30+$0xFFFFFFD0]  }
0xaa: {  	v22 =	vsel vm0, v7, v11;
	v28 =	vsel vm0, v2, v7;
	v27 =	vperm.xlane v19, v0  }
0xab: {  	v30 =	vld [tilespmem:s30+$0xFFFFFFBF];
	vm3 =	vgt.f32 v29, v62;
	v19 =	vsel vm0, v4, v10;
	vm5 =	vmxor vm5, vm6  }
0xac: {  	s23 =	simm.s32 $0x6200;
	s22 =	simm.s32 $0x2180;
	s21 =	simm.s32 $0x208;
	v21 =	vld [tilespmem:s30+$0xFFFFFFEF];
	v32 =	vperm.xlane v19, v0;
	v19 =	vadd.f32 v61, v63;
	v20 =	vmul.f32 $1.000000000e+04, v13  }
.LBB2_4:
0xad: {  	v33 =	vld [tilespmem:s22+$0xFFFFFFB0];
	s21 =	sadd.s32 $0x8, s21;
	v34 =	vsel vm0, v18, v3;
	v31 =	vmul.f32 v31, v31;
	v29 =	vsub.f32 v2, v29;
	v35 =	vmovc v4  }
0xae: {  	v26 =	vmul.f32 v26, v26;
	v36 =	vld [tilespmem:s22+$0xFFFFFF9F];
	p0 =	slt.u32 s21, $0x3F8;
	v34 =	vperm.xlane v34, v0;
	vm6 =	vgt.f32 v14, v12  }
0xaf: {  	v8 =	vsub.f32 v3, v8;
	v37 =	vld [tilespmem:s22+$0xFFFFFFFF];
	v38 =	vmul.f32 $1.000000000e+04, v31;
	v39 =	vmul.f32 v29, v29  }
0xb0: {  	v24 =	vsel vm5, v24, v17;
	v17 =	vmul.f32 v25, v25;
	vm5 =	vgt.f32 v4, v32;
	v29 =	vld [tilespmem:s22+$0x0]  }
0xb1: {  	v16 =	vperm.xlane v16, v0;
	vm7 =	vgt.f32 v18, v34;
	v18 =	vperm.xlane v28, v0;
	v25 =	vld [tilespmem:s22+$0xFFFFFF8F]  }
0xb2: {  	vm8 =	vgt.f32 v11, v27;
	v11 =	vperm.xlane v22, v0;
	v22 =	vperm.xlane v23, v0;
	v12 =	vld [tilespmem:s22+$0xFFFFFFCF]  }
0xb3: {  	v27 =	vmul.f32 $1.000000000e+04, v17;
	vm2 =	vmxor vm2, vm5;
	vm9 =	vgt.f32 v6, v30;
	v23 =	vld [tilespmem:s23+$0xFFFFFFA0]  }
0xb4: {  	vm5 =	vgt.f32 v3, v16;
	v16 =	vmul.f32 v8, v8;
	vm10 =	vgt.f32 v7, v11;
	v4 =	vld [tilespmem:s23+$0x0]  }
0xb5: {  	vm4 =	vmxor vm4, vm5;
	vm5 =	vmxor vm9, vm8;
	vm8 =	vgt.f32 v10, v22;
	v11 =	vld [tilespmem:s22+$0xFFFFFF90]  }
0xb6: {  	v13 =	vsel vm2, v20, v13;
	v6 =	vadd.f32 v9, v15;
	v22 =	vmul.f32 $1.000000000e+04, v39;
	v8 =	vld [tilespmem:s22+$0xFFFFFFA0]  }
0xb7: {  	vm6 =	vmxor vm6, vm10;
	vm2 =	vgt.f32 v5, v21;
	v5 =	vmul.f32 $1.000000000e+04, v26;
	v28 =	vld [tilespmem:s23+$0xFFFFFF90]  }
0xb8: {  	v9 =	vmul.f32 $1.000000000e+04, v16;
	vm2 =	vmxor vm2, vm8;
	v10 =	vadd.f32 v6, v19;
	v15 =	vld [tilespmem:s23+$0xFFFFFFE0];
	v3 =	vmovc v23  }
0xb9: {  	v7 =	vsub.f32 v7, v14;
	v19 =	vsel vm5, v27, v17;
	v14 =	vsel vm2, v5, v26;
	v6 =	vld [tilespmem:s22+$0xFFFFFFC0]  }
0xba: {  	vm1 =	vmxor vm1, vm7;
	v1 =	vadd.f32 v10, v1;
	vm5 =	vgt.f32 v11, v25;
	v5 =	vld [tilespmem:s22+$0xFFFFFFF0]  }
0xbb: {  	v21 =	vsel vm4, v9, v16;
	vm2 =	vgt.f32 v29, v37;
	v23 =	vmul.f32 v7, v7;
	v20 =	vld [tilespmem:s22+$0xFFFFFFAF]  }
0xbc: {  	vm4 =	vgt.f32 v2, v18;
	v25 =	vsel vm0, v28, v35;
	v7 =	vsub.f32 v28, v11;
	v11 =	vld [tilespmem:s23+$0xFFFFFFC0]  }
0xbd: {  	v27 =	vsel vm1, v38, v31;
	v9 =	vadd.f32 v13, v14;
	v26 =	vsub.f32 v4, v29;
	v10 =	vld [tilespmem:s23+$0xFFFFFFF0];
	v2 =	vmovc v15  }
0xbe: {  	v13 =	vmul.f32 $1.000000000e+04, v23;
	v16 =	vsel vm0, v3, v28;
	v17 =	vmul.f32 v7, v7;
	v7 =	vld [tilespmem:s23+$0xFFFFFFD0]  }
0xbf: {  	vm3 =	vmxor vm3, vm4;
	v19 =	vadd.f32 v19, v27;
	v30 =	vperm.xlane v25, v0;
	v18 =	vld [tilespmem:s23+$0xFFFFFFB0]  }
0xc0: {  	v34 =	vadd.f32 v21, v24;
	vm4 =	vgt.f32 v8, v36;
	v14 =	vsel vm6, v13, v23;
	v32 =	vld [tilespmem:s22+$0xFFFFFFDF]  }
0xc1: {  	v13 =	vmul.f32 v26, v26;
	v15 =	vsel vm3, v22, v39;
	vm1 =	vgt.f32 v33, v20;
	v29 =	vld [tilespmem:s22+$0xFFFFFFE0]  }
0xc2: {  	v15 =	vadd.f32 v15, v14;
	v26 =	vsub.f32 v10, v5  }
.Ltmp1:
0xc3: {  	v24 =	vmul.f32 $1.000000000e+04, v17;
	v25 =	vsub.f32 v11, v6;
	v22 =	vsel vm0, v7, v11;
	(pc) =	sbr.rel @p0 .LBB2_4-.Ltmp1, $4  }
0xc4: {  	v20 =	vmul.f32 $1.000000000e+04, v13;
	v23 =	vsel vm0, v10, v2;
	v31 =	vsub.f32 v18, v33;
	v14 =	vld [tilespmem:s22+$0xFFFFFFD0]  }
0xc5: {  	vm6 =	vgt.f32 v28, v30;
	v28 =	vsel vm0, v2, v7;
	v21 =	vsel vm0, v11, v18  }
0xc6: {  	v27 =	vperm.xlane v21, v0;
	vm3 =	vgt.f32 v29, v32;
	v21 =	vld [tilespmem:s22+$0xFFFFFFEF];
	v32 =	vsel vm0, v4, v10  }
0xc7: {  	v19 =	vadd.f32 v19, v34;
	s23 =	sadd.s32 $0x80, s23;
	vm5 =	vmxor vm5, vm6;
	v30 =	vld [tilespmem:s22+$0xFFFFFFBF];
	v32 =	vperm.xlane v32, v0;
	s22 =	sadd.s32 $0x80, s22  }
0xc8: {  	v33 =	vsel vm0, v18, v3  }
0xc9: {  	v31 =	vmul.f32 v31, v31;
	v29 =	vsub.f32 v2, v29;
	v49 =	vmul.f32 v26, v26  }
0xca: {  	v8 =	vsub.f32 v3, v8;
	v17 =	vsel vm5, v24, v17;
	v51 =	vmul.f32 v25, v25  }
0xcb: {  	v52 =	vperm.xlane v16, v0;
	v53 =	vperm.xlane v28, v0;
	vm8 =	vgt.f32 v11, v27  }
0xcc: {  	v54 =	vperm.xlane v22, v0;
	v55 =	vperm.xlane v23, v0;
	v9 =	vadd.f32 v9, v15  }
0xcd: {  	v33 =	vperm.xlane v33, v0;
	vm6 =	vgt.f32 v14, v12;
	vm14 =	vgt.f32 v4, v32  }
0xce: {  	v59 =	vsub.f32 v7, v14;
	v50 =	vmul.f32 $1.000000000e+04, v31;
	v29 =	vmul.f32 v29, v29  }
0xcf: {  	v56 =	vmul.f32 $1.000000000e+04, v51;
	vm2 =	vmxor vm2, vm14;
	vm15 =	vgt.f32 v3, v52  }
0xd0: {  	v3 =	vmul.f32 v8, v8;
	vm10 =	vgt.f32 v7, v54;
	vm13 =	vgt.f32 v10, v55  }
0xd1: {  	v60 =	vmul.f32 $1.000000000e+04, v49;
	vm7 =	vgt.f32 v18, v33;
	vm4 =	vmxor vm4, vm15  }
0xd2: {  	v58 =	vsel vm2, v20, v13;
	vm2 =	vmxor vm6, vm10;
	vm14 =	vgt.f32 v5, v21  }
0xd3: {  	v7 =	vmul.f32 v59, v59;
	vm15 =	vgt.f32 v2, v53;
	vm9 =	vgt.f32 v6, v30  }
0xd4: {  	v57 =	vmul.f32 $1.000000000e+04, v29;
	v61 =	vmul.f32 $1.000000000e+04, v3;
	vm6 =	vmxor vm14, vm13  }
0xd5: {  	vm1 =	vmxor vm1, vm7;
	vm12 =	vmxor vm9, vm8;
	v5 =	vsel vm6, v60, v49  }
0xd6: {  	v2 =	vmul.f32 $1.000000000e+04, v7;
	v62 =	vsel vm1, v50, v31;
	vm1 =	vmxor vm3, vm15  }
0xd7: {  	v6 =	vsel vm12, v56, v51;
	v3 =	vsel vm4, v61, v3;
	v5 =	vadd.f32 v58, v5  }
0xd8: {  	v4 =	vsel vm1, v57, v29;
	v6 =	vadd.f32 v6, v62;
	v2 =	vsel vm2, v2, v7  }
0xd9: {  	v3 =	vadd.f32 v3, v17;
	v2 =	vadd.f32 v4, v2  }
0xda: {  	v63 =	vadd.f32 v9, v19  }
0xdb: {  	v3 =	vadd.f32 v6, v3;
	v2 =	vadd.f32 v5, v2;
	_ =	sdelay $0x1  }
0xdc: {  	v1 =	vadd.f32 v63, v1;
	v2 =	vadd.f32 v2, v3;
	_ =	sdelay $0x1  }
0xdd: {  	s20 =	sadd.s32 $0x1, s20;
	v1 =	vadd.f32 v2, v1  }
0xde: {  	p0 =	sne.s32 s20, s10  }
.Ltmp2:
0xdf: {  	[tilespmem:$0x8100] =	vst v1;
	(pc) =	sbr.rel @p0 .LBB2_1-.Ltmp2, $4  }
0xe0: {  	[hbm4b:s9+s2] =	stream.linear.scatter [tilespmem:s18], [sflag:$0x3], $0x80, $0x38;
	[tilespmem:$0x8180] =	vst v63  }
0xe1: {  	_ =	swait.ge [sflag:s19], $0x80  }
0xe2: {  	[sflag:s19] =	ssyncset.done $0x0  }
0xe3: {  	[sflag:s19] =	ssyncadd.s32 $0xFFFFFF80  }
0xe4: {  	_ =	sfence.sel $0x180000  }
0xe5: {  	[bflag:$0x0] =	sbarrier.arrive $0xFFFF  }
0xe6: {  	p0 =	sne.s32 s1, $0x0;
	_ =	strace $0x90000047  }
0xe7: {  	s0 =	sadd.s32 @!p0 $0x100000, s0;
	[bflag:$0x2] =	sbarrier.arrive $0xFFFF  }
0xe8: {  	[sflag:s0] =	ssyncadd.tile.s32 @!p0 $0x1;
	_ =	shalt  }
.Lfunc_end2:
_tile_overlayer_lowered:
.L_overlay_start_2:
0xe9: {  	(tag) =	ssettag $0x2  }
0xea: {  	s0 =	rddreg [dreg:$0x0];
	s2 =	stileid.u32  }
0xeb: {  	s1 =	rddreg [dreg:$0x1];
	p0 =	sne.s32 s2, $0x0  }
0xec: {  	s3 =	rddreg [dreg:$0x2];
	[bflag:$0x3] =	sbarrier.arrive $0xFFFF;
	s2 =	simm.s32 @!p0 $0x1C03  }
0xed: {  	[timem:s3], [sflag:s2] =	dma.local @!p0 [hbm:s0], s1  }
0xee: {  	s0 =	simm.s32 @!p0 $0x3  }
0xef: {  	_ =	swait.ge @!p0 [sflag:s0], s1  }
0xf0: {  	s1 =	ssub.s32 @!p0 $0x0, s1;
	[sflag:s0] =	ssyncset.done @!p0 $0x0  }
0xf1: {  	[sflag:s0] =	ssyncadd.s32 @!p0 s1  }
0xf2: {  	[bflag:$0x3] =	sbarrier.arrive $0xFFFF  }
0xf3: {  	_ =	shalt  }

</sc_bundles>
